<compile_context>
chip_gen: v7x
topology: tpu7x:2x2x1
jax: 0.10.2.dev20260603
libtpu: 0.0.44.dev20260713+nightly
codegen_flags: <defaults>
</compile_context>

<pallas_src>
import jax
import jax.numpy as jnp
from jax import lax
from jax.experimental import pallas as pl
from jax.experimental.pallas import tpu as pltpu
from jax.experimental.pallas import tpu_sc as plsc

NUM_BANDS_K = 200
TOP_K_K = 30
D = 128
NROWS_IN = 16 * 128 * NUM_BANDS_K
NC, NS = 2, 16
NW = NC * NS
CHUNK = 128
CH_PER_W = 15
NCHUNKS = NW * CH_PER_W
NBUF = 5
LOOKAHEAD = 4


def _sc_body(tab_hbm, sel_hbm, out_hbm, sel_v, idx_v, b0, b1, b2, b3, b4,
             rsem, wsem):
    bufs = (b0, b1, b2, b3, b4)
    c = lax.axis_index("c")
    s = lax.axis_index("s")
    wid = s * NC + c

    pltpu.sync_copy(sel_hbm, sel_v)
    ch_base = wid * CH_PER_W

    @plsc.parallel_loop(0, CH_PER_W * 8, 1, unroll=4)
    def _(v):
        g = lax.div(v, 8)
        k = lax.rem(v, 8)
        u = wid * CH_PER_W + g
        bimg = lax.div(u, TOP_K_K)
        sband = lax.rem(u, TOP_K_K)
        selv = plsc.load_gather(
            sel_v, [lax.broadcast_in_dim(sband, (16,), ())])
        j = lax.iota(jnp.int32, 16) + k * 16
        idx_v[pl.ds(v * 16, 16)] = (
            bimg * (128 * NUM_BANDS_K) + j * NUM_BANDS_K + selv)

    def gather_start(g, b):
        pltpu.async_copy(tab_hbm.at[idx_v.at[pl.ds(g * CHUNK, CHUNK)]],
                         bufs[b], rsem.at[b])

    def gather_wait(b):
        pltpu.make_async_copy(tab_hbm.at[idx_v.at[pl.ds(0, CHUNK)]],
                              bufs[b], rsem.at[b]).wait()

    def wr_start(g, b):
        pltpu.async_copy(bufs[b], out_hbm.at[ch_base + g], wsem.at[b])

    def wr_wait(b):
        pltpu.make_async_copy(bufs[b], out_hbm.at[0], wsem.at[b]).wait()

    for g in range(LOOKAHEAD):
        gather_start(g, g)

    def quint(t, carry):
        for b5 in range(NBUF):
            g = NBUF * t + b5
            nxt = g + LOOKAHEAD
            nb = (b5 + LOOKAHEAD) % NBUF

            @pl.when(nxt < CH_PER_W)
            def _():
                @pl.when(nxt >= NBUF)
                def _():
                    wr_wait(nb)

                gather_start(nxt, nb)

            gather_wait(b5)
            wr_start(g, b5)
        return carry

    lax.fori_loop(0, CH_PER_W // NBUF, quint, 0, unroll=False)
    for b in range(NBUF):
        wr_wait(b)


@jax.jit
def kernel(x, selected_bands):
    table = jnp.transpose(x, (0, 1, 3, 2)).reshape(NROWS_IN, D)
    sel = selected_bands.astype(jnp.int32)

    mesh = plsc.VectorSubcoreMesh(
        core_axis_name="c", subcore_axis_name="s", num_cores=NC,
        num_subcores=NS)
    fn = pl.kernel(
        _sc_body,
        out_type=jax.ShapeDtypeStruct((NCHUNKS, CHUNK, D), jnp.float32),
        mesh=mesh,
        compiler_params=pltpu.CompilerParams(needs_layout_passes=False),
        scratch_types=[
            pltpu.VMEM((TOP_K_K,), jnp.int32),
            pltpu.VMEM((CH_PER_W * CHUNK,), jnp.int32),
            pltpu.VMEM((CHUNK, D), jnp.float32),
            pltpu.VMEM((CHUNK, D), jnp.float32),
            pltpu.VMEM((CHUNK, D), jnp.float32),
            pltpu.VMEM((CHUNK, D), jnp.float32),
            pltpu.VMEM((CHUNK, D), jnp.float32),
            pltpu.SemaphoreType.DMA((NBUF,)),
            pltpu.SemaphoreType.DMA((NBUF,)),
        ],
    )
    out = fn(table, sel)
    out4 = out.reshape(16, TOP_K_K, 128, 128)
    return jnp.transpose(out4, (0, 2, 3, 1))

# --- scband reference (transcript-rebuilt; emitter-appended) ---
"""Pipeline reference for scband-gbs-57741540327719 (READ-ONLY COPY).

The authoritative reference and input builder live on the scoring server;
editing this copy changes nothing except your own understanding.
"""

import jax, jax.numpy as jnp
import numpy as np

NUM_BANDS = 200
TOP_K = 30

def setup_inputs(seed: int = 0) -> dict:
    key = jax.random.key(seed)
    k1, k2 = jax.random.split(key)
    x = jax.random.normal(k1, (16, 128, 128, NUM_BANDS), dtype=jnp.float32)
    # selected_bands is computed once at module init time by the greedy PCC/MI
    # selection procedure; for the forward benchmark it is a fixed int index set.
    selected_bands = jax.random.randint(k2, (TOP_K,), 0, NUM_BANDS, dtype=jnp.int64)
    return {"x": x, "selected_bands": selected_bands}

def reference(x, selected_bands):
    # Faithful translation of GBS.forward: selected_x = x[:, :, :, self.selected_bands]
    return jnp.take(x, selected_bands, axis=3)

if __name__ == "__main__":
    import jax
    _d = setup_inputs()
    print(jax.jit(kernel)(*tuple(_d.values())))

</pallas_src>

<mosaic_0001>
#map = affine_map<(d0, d1) -> (0, 0)>
#map1 = affine_map<(d0, d1) -> (0)>
#map2 = affine_map<(d0, d1) -> (0, 0, 0)>
module attributes {stable_mosaic.version = 14 : i64} {
  func.func @_sc_body(%arg0: i32, %arg1: i32, %arg2: memref<409600x128xf32, #tpu.memory_space<hbm>>, %arg3: memref<30xi32, #tpu.memory_space<hbm>>, %arg4: memref<480x128x128xf32, #tpu.memory_space<hbm>>, %arg5: memref<30xi32, #tpu.memory_space<vmem>>, %arg6: memref<1920xi32, #tpu.memory_space<vmem>>, %arg7: memref<128x128xf32, #tpu.memory_space<vmem>>, %arg8: memref<128x128xf32, #tpu.memory_space<vmem>>, %arg9: memref<128x128xf32, #tpu.memory_space<vmem>>, %arg10: memref<128x128xf32, #tpu.memory_space<vmem>>, %arg11: memref<128x128xf32, #tpu.memory_space<vmem>>, %arg12: memref<5x!tpu.dma_semaphore, #tpu.memory_space<semaphore_mem>>, %arg13: memref<5x!tpu.dma_semaphore, #tpu.memory_space<semaphore_mem>>) attributes {dimension_semantics = [#tpu.dimension_semantics<core_parallel>, #tpu.dimension_semantics<subcore_parallel>], iteration_bounds = array<i64: 2, 16>, scalar_prefetch = 0 : i64, scratch_operands = 9 : i64, tpu.core_type = #tpu.core_type<sc_vector_subcore>, window_params = [{transform_indices = #map}, {transform_indices = #map1}, {transform_indices = #map2}]} {
    %mul3A = arith.constant 2 : i32
    %mul3A_0 = arith.muli %arg1, %mul3A : i32
    %add3A = arith.addi %mul3A_0, %arg0 : i32
    "tpu.region"() ({
      %run_scoped3A = tpu.sem_alloc : memref<!tpu.dma_semaphore, #tpu.memory_space<semaphore_mem>>
      tpu.enqueue_dma source(%arg3 : memref<30xi32, #tpu.memory_space<hbm>>) target(%arg5 : memref<30xi32, #tpu.memory_space<vmem>>) target_semaphore(%run_scoped3A : memref<!tpu.dma_semaphore, #tpu.memory_space<semaphore_mem>>)
      tpu.wait_dma2 semaphore(%run_scoped3A : memref<!tpu.dma_semaphore, #tpu.memory_space<semaphore_mem>>) src(%arg3 : memref<30xi32, #tpu.memory_space<hbm>>) dst(%arg5 : memref<30xi32, #tpu.memory_space<vmem>>)
      tpu.yield
    }) : () -> ()
    %mul3A_1 = arith.constant 15 : i32
    %mul3A_2 = arith.muli %add3A, %mul3A_1 : i32
    %parallel_loop3A = arith.constant 0 : i32
    %parallel_loop3A_3 = arith.constant 120 : i32
    %parallel_loop3A_4 = arith.constant 1 : i32
    scf.for %parallel_loop3A_100 = %parallel_loop3A to %parallel_loop3A_3 step %parallel_loop3A_4  : i32 {
      %parallel_loop3A_101 = arith.constant 8 : i32
      %parallel_loop3A_102 = arith.divsi %parallel_loop3A_100, %parallel_loop3A_101 : i32
      %parallel_loop3A_103 = arith.constant 8 : i32
      %parallel_loop3A_104 = arith.remsi %parallel_loop3A_100, %parallel_loop3A_103 : i32
      %parallel_loop3A_105 = arith.constant 15 : i32
      %parallel_loop3A_106 = arith.muli %add3A, %parallel_loop3A_105 : i32
      %parallel_loop3A_107 = arith.addi %parallel_loop3A_106, %parallel_loop3A_102 : i32
      %parallel_loop3A_108 = arith.constant 30 : i32
      %parallel_loop3A_109 = arith.divsi %parallel_loop3A_107, %parallel_loop3A_108 : i32
      %parallel_loop3A_110 = arith.constant 30 : i32
      %parallel_loop3A_111 = arith.remsi %parallel_loop3A_107, %parallel_loop3A_110 : i32
      %parallel_loop3A_112 = vector.broadcast %parallel_loop3A_111 : i32 to vector<16xi32>
      %parallel_loop3A_113 = tpu.vector_load_idx %arg5[%parallel_loop3A_112] : memref<30xi32, #tpu.memory_space<vmem>>[vector<16xi32>], vector<16xi32>,
      %parallel_loop3A_114 = tpu.iota {dimensions = array<i32: 0>} : vector<16xi32>
      %parallel_loop3A_115 = arith.constant 16 : i32
      %parallel_loop3A_116 = arith.muli %parallel_loop3A_104, %parallel_loop3A_115 : i32
      %parallel_loop3A_117 = vector.broadcast %parallel_loop3A_116 : i32 to vector<16xi32>
      %parallel_loop3A_118 = arith.addi %parallel_loop3A_114, %parallel_loop3A_117 : vector<16xi32>
      %parallel_loop3A_119 = arith.constant 25600 : i32
      %parallel_loop3A_120 = arith.muli %parallel_loop3A_109, %parallel_loop3A_119 : i32
      %parallel_loop3A_121 = arith.constant 200 : i32
      %parallel_loop3A_122 = vector.broadcast %parallel_loop3A_121 : i32 to vector<16xi32>
      %parallel_loop3A_123 = arith.muli %parallel_loop3A_118, %parallel_loop3A_122 : vector<16xi32>
      %parallel_loop3A_124 = vector.broadcast %parallel_loop3A_120 : i32 to vector<16xi32>
      %parallel_loop3A_125 = arith.addi %parallel_loop3A_124, %parallel_loop3A_123 : vector<16xi32>
      %parallel_loop3A_126 = arith.addi %parallel_loop3A_125, %parallel_loop3A_113 : vector<16xi32>
      %parallel_loop3A_127 = arith.constant 16 : i32
      %parallel_loop3A_128 = arith.muli %parallel_loop3A_100, %parallel_loop3A_127 : i32
      %parallel_loop3A_129 = arith.index_cast %parallel_loop3A_128 : i32 to index
      %parallel_loop3A_130 = tpu.vector_load %arg6[%parallel_loop3A_129] {strides = array<i32>} : memref<1920xi32, #tpu.memory_space<vmem>>, vector<16xi32>,
      tpu.vector_store %arg6[%parallel_loop3A_129], %parallel_loop3A_126 {strides = array<i32>} : memref<1920xi32, #tpu.memory_space<vmem>>, vector<16xi32>,
    } {sc.loop_unroll_factor = 4 : i64, sc.parallel_access}
    %dma_start3A = arith.constant 0 : i32
    %dma_start3A_5 = arith.constant 0 : i32
    %dma_start3A_6 = tpu.memref_slice %arg6[%dma_start3A_5] : memref<1920xi32, #tpu.memory_space<vmem>> -> memref<128xi32, #tpu.memory_space<vmem>>
    %dma_start3A_7 = arith.constant 0 : i32
    %dma_start3A_8 = arith.constant 0 : i32
    %dma_start3A_9 = tpu.memref_slice %arg2[%dma_start3A_7, %dma_start3A_8] : memref<409600x128xf32, #tpu.memory_space<hbm>> -> memref<409600x128xf32, #tpu.memory_space<hbm>>
    %dma_start3A_10 = tpu.memref_slice %arg12[%dma_start3A] : memref<5x!tpu.dma_semaphore, #tpu.memory_space<semaphore_mem>> -> memref<1x!tpu.dma_semaphore, #tpu.memory_space<semaphore_mem>>
    %dma_start3A_11 = tpu.memref_squeeze %dma_start3A_10 : memref<1x!tpu.dma_semaphore, #tpu.memory_space<semaphore_mem>> -> memref<!tpu.dma_semaphore, #tpu.memory_space<semaphore_mem>>
    tpu.enqueue_indirect_dma source(%dma_start3A_9 : memref<409600x128xf32, #tpu.memory_space<hbm>>) target(%arg7 : memref<128x128xf32, #tpu.memory_space<vmem>>) offsets(%dma_start3A_6 : memref<128xi32, #tpu.memory_space<vmem>>) semaphore(%dma_start3A_11 : memref<!tpu.dma_semaphore, #tpu.memory_space<semaphore_mem>>)
    %dma_start3A_12 = arith.constant 1 : i32
    %dma_start3A_13 = arith.constant 128 : i32
    %dma_start3A_14 = tpu.memref_slice %arg6[%dma_start3A_13] : memref<1920xi32, #tpu.memory_space<vmem>> -> memref<128xi32, #tpu.memory_space<vmem>>
    %dma_start3A_15 = arith.constant 0 : i32
    %dma_start3A_16 = arith.constant 0 : i32
    %dma_start3A_17 = tpu.memref_slice %arg2[%dma_start3A_15, %dma_start3A_16] : memref<409600x128xf32, #tpu.memory_space<hbm>> -> memref<409600x128xf32, #tpu.memory_space<hbm>>
    %dma_start3A_18 = tpu.memref_slice %arg12[%dma_start3A_12] : memref<5x!tpu.dma_semaphore, #tpu.memory_space<semaphore_mem>> -> memref<1x!tpu.dma_semaphore, #tpu.memory_space<semaphore_mem>>
    %dma_start3A_19 = tpu.memref_squeeze %dma_start3A_18 : memref<1x!tpu.dma_semaphore, #tpu.memory_space<semaphore_mem>> -> memref<!tpu.dma_semaphore, #tpu.memory_space<semaphore_mem>>
    tpu.enqueue_indirect_dma source(%dma_start3A_17 : memref<409600x128xf32, #tpu.memory_space<hbm>>) target(%arg8 : memref<128x128xf32, #tpu.memory_space<vmem>>) offsets(%dma_start3A_14 : memref<128xi32, #tpu.memory_space<vmem>>) semaphore(%dma_start3A_19 : memref<!tpu.dma_semaphore, #tpu.memory_space<semaphore_mem>>)
    %dma_start3A_20 = arith.constant 2 : i32
    %dma_start3A_21 = arith.constant 256 : i32
    %dma_start3A_22 = tpu.memref_slice %arg6[%dma_start3A_21] : memref<1920xi32, #tpu.memory_space<vmem>> -> memref<128xi32, #tpu.memory_space<vmem>>
    %dma_start3A_23 = arith.constant 0 : i32
    %dma_start3A_24 = arith.constant 0 : i32
    %dma_start3A_25 = tpu.memref_slice %arg2[%dma_start3A_23, %dma_start3A_24] : memref<409600x128xf32, #tpu.memory_space<hbm>> -> memref<409600x128xf32, #tpu.memory_space<hbm>>
    %dma_start3A_26 = tpu.memref_slice %arg12[%dma_start3A_20] : memref<5x!tpu.dma_semaphore, #tpu.memory_space<semaphore_mem>> -> memref<1x!tpu.dma_semaphore, #tpu.memory_space<semaphore_mem>>
    %dma_start3A_27 = tpu.memref_squeeze %dma_start3A_26 : memref<1x!tpu.dma_semaphore, #tpu.memory_space<semaphore_mem>> -> memref<!tpu.dma_semaphore, #tpu.memory_space<semaphore_mem>>
    tpu.enqueue_indirect_dma source(%dma_start3A_25 : memref<409600x128xf32, #tpu.memory_space<hbm>>) target(%arg9 : memref<128x128xf32, #tpu.memory_space<vmem>>) offsets(%dma_start3A_22 : memref<128xi32, #tpu.memory_space<vmem>>) semaphore(%dma_start3A_27 : memref<!tpu.dma_semaphore, #tpu.memory_space<semaphore_mem>>)
    %dma_start3A_28 = arith.constant 3 : i32
    %dma_start3A_29 = arith.constant 384 : i32
    %dma_start3A_30 = tpu.memref_slice %arg6[%dma_start3A_29] : memref<1920xi32, #tpu.memory_space<vmem>> -> memref<128xi32, #tpu.memory_space<vmem>>
    %dma_start3A_31 = arith.constant 0 : i32
    %dma_start3A_32 = arith.constant 0 : i32
    %dma_start3A_33 = tpu.memref_slice %arg2[%dma_start3A_31, %dma_start3A_32] : memref<409600x128xf32, #tpu.memory_space<hbm>> -> memref<409600x128xf32, #tpu.memory_space<hbm>>
    %dma_start3A_34 = tpu.memref_slice %arg12[%dma_start3A_28] : memref<5x!tpu.dma_semaphore, #tpu.memory_space<semaphore_mem>> -> memref<1x!tpu.dma_semaphore, #tpu.memory_space<semaphore_mem>>
    %dma_start3A_35 = tpu.memref_squeeze %dma_start3A_34 : memref<1x!tpu.dma_semaphore, #tpu.memory_space<semaphore_mem>> -> memref<!tpu.dma_semaphore, #tpu.memory_space<semaphore_mem>>
    tpu.enqueue_indirect_dma source(%dma_start3A_33 : memref<409600x128xf32, #tpu.memory_space<hbm>>) target(%arg10 : memref<128x128xf32, #tpu.memory_space<vmem>>) offsets(%dma_start3A_30 : memref<128xi32, #tpu.memory_space<vmem>>) semaphore(%dma_start3A_35 : memref<!tpu.dma_semaphore, #tpu.memory_space<semaphore_mem>>)
    %scan3A = arith.constant 0 : i32
    %scan3A_36 = arith.constant 0 : i32
    %scan3A_37 = arith.constant 3 : i32
    %scan3A_38 = arith.addi %scan3A_36, %scan3A_37 : i32
    %scan3A_39 = arith.constant 1 : i32
    scf.for %scan3A_100 = %scan3A_36 to %scan3A_38 step %scan3A_39  : i32 {
      %mul3A_101 = arith.constant 5 : i32
      %mul3A_102 = arith.muli %mul3A_101, %scan3A_100 : i32
      %add3A_103 = arith.constant 0 : i32
      %add3A_104 = arith.addi %mul3A_102, %add3A_103 : i32
      %add3A_105 = arith.constant 4 : i32
      %add3A_106 = arith.addi %add3A_104, %add3A_105 : i32
      %lt3A = arith.constant 15 : i32
      %lt3A_107 = arith.cmpi slt, %add3A_106, %lt3A : i32
      %convert_element_type3A = arith.extui %lt3A_107 : i1 to i32
      %cond3A = arith.constant 0 : i32
      %cond3A_108 = arith.cmpi ne, %convert_element_type3A, %cond3A : i32
      scf.if %cond3A_108 {
        %ge3A = arith.constant 5 : i32
        %ge3A_253 = arith.cmpi sge, %add3A_106, %ge3A : i32
        %convert_element_type3A_254 = arith.extui %ge3A_253 : i1 to i32
        %cond3A_255 = arith.constant 0 : i32
        %cond3A_256 = arith.cmpi ne, %convert_element_type3A_254, %cond3A_255 : i32
        scf.if %cond3A_256 {
          %dma_wait3A_266 = arith.constant 0 : i32
          %dma_wait3A_267 = arith.constant 4 : i32
          %dma_wait3A_268 = arith.constant 0 : i32
          %dma_wait3A_269 = arith.constant 0 : i32
          %dma_wait3A_270 = tpu.memref_slice %arg4[%dma_wait3A_266, %dma_wait3A_268, %dma_wait3A_269] : memref<480x128x128xf32, #tpu.memory_space<hbm>> -> memref<1x128x128xf32, #tpu.memory_space<hbm>>
          %dma_wait3A_271 = tpu.memref_squeeze %dma_wait3A_270 : memref<1x128x128xf32, #tpu.memory_space<hbm>> -> memref<128x128xf32, #tpu.memory_space<hbm>>
          %dma_wait3A_272 = tpu.memref_slice %arg13[%dma_wait3A_267] : memref<5x!tpu.dma_semaphore, #tpu.memory_space<semaphore_mem>> -> memref<1x!tpu.dma_semaphore, #tpu.memory_space<semaphore_mem>>
          %dma_wait3A_273 = tpu.memref_squeeze %dma_wait3A_272 : memref<1x!tpu.dma_semaphore, #tpu.memory_space<semaphore_mem>> -> memref<!tpu.dma_semaphore, #tpu.memory_space<semaphore_mem>>
          %dma_wait3A_274 = arith.constant 0 : i32
          %dma_wait3A_275 = arith.constant 0 : i32
          %dma_wait3A_276 = tpu.memref_slice %arg4[%dma_wait3A_266, %dma_wait3A_274, %dma_wait3A_275] : memref<480x128x128xf32, #tpu.memory_space<hbm>> -> memref<1x128x128xf32, #tpu.memory_space<hbm>>
          %dma_wait3A_277 = tpu.memref_squeeze %dma_wait3A_276 : memref<1x128x128xf32, #tpu.memory_space<hbm>> -> memref<128x128xf32, #tpu.memory_space<hbm>>
          tpu.wait_dma2 semaphore(%dma_wait3A_273 : memref<!tpu.dma_semaphore, #tpu.memory_space<semaphore_mem>>) src(%arg11 : memref<128x128xf32, #tpu.memory_space<vmem>>) dst(%dma_wait3A_277 : memref<128x128xf32, #tpu.memory_space<hbm>>)
        } else {
        }
        %mul3A_257 = arith.constant 128 : i32
        %mul3A_258 = arith.muli %add3A_106, %mul3A_257 : i32
        %dma_start3A_259 = arith.constant 4 : i32
        %dma_start3A_260 = tpu.memref_slice %arg6[%mul3A_258] : memref<1920xi32, #tpu.memory_space<vmem>> -> memref<128xi32, #tpu.memory_space<vmem>>
        %dma_start3A_261 = arith.constant 0 : i32
        %dma_start3A_262 = arith.constant 0 : i32
        %dma_start3A_263 = tpu.memref_slice %arg2[%dma_start3A_261, %dma_start3A_262] : memref<409600x128xf32, #tpu.memory_space<hbm>> -> memref<409600x128xf32, #tpu.memory_space<hbm>>
        %dma_start3A_264 = tpu.memref_slice %arg12[%dma_start3A_259] : memref<5x!tpu.dma_semaphore, #tpu.memory_space<semaphore_mem>> -> memref<1x!tpu.dma_semaphore, #tpu.memory_space<semaphore_mem>>
        %dma_start3A_265 = tpu.memref_squeeze %dma_start3A_264 : memref<1x!tpu.dma_semaphore, #tpu.memory_space<semaphore_mem>> -> memref<!tpu.dma_semaphore, #tpu.memory_space<semaphore_mem>>
        tpu.enqueue_indirect_dma source(%dma_start3A_263 : memref<409600x128xf32, #tpu.memory_space<hbm>>) target(%arg11 : memref<128x128xf32, #tpu.memory_space<vmem>>) offsets(%dma_start3A_260 : memref<128xi32, #tpu.memory_space<vmem>>) semaphore(%dma_start3A_265 : memref<!tpu.dma_semaphore, #tpu.memory_space<semaphore_mem>>)
      } else {
      }
      %dma_wait3A_109 = arith.constant 0 : i32
      %dma_wait3A_110 = arith.constant 0 : i32
      %dma_wait3A_111 = tpu.memref_slice %arg6[%dma_wait3A_110] : memref<1920xi32, #tpu.memory_space<vmem>> -> memref<128xi32, #tpu.memory_space<vmem>>
      %dma_wait3A_112 = arith.constant 0 : i32
      %dma_wait3A_113 = arith.constant 0 : i32
      %dma_wait3A_114 = tpu.memref_slice %arg2[%dma_wait3A_112, %dma_wait3A_113] : memref<409600x128xf32, #tpu.memory_space<hbm>> -> memref<409600x128xf32, #tpu.memory_space<hbm>>
      %dma_wait3A_115 = tpu.memref_slice %arg12[%dma_wait3A_109] : memref<5x!tpu.dma_semaphore, #tpu.memory_space<semaphore_mem>> -> memref<1x!tpu.dma_semaphore, #tpu.memory_space<semaphore_mem>>
      %dma_wait3A_116 = tpu.memref_squeeze %dma_wait3A_115 : memref<1x!tpu.dma_semaphore, #tpu.memory_space<semaphore_mem>> -> memref<!tpu.dma_semaphore, #tpu.memory_space<semaphore_mem>>
      tpu.wait_indirect_dma semaphore(%dma_wait3A_116 : memref<!tpu.dma_semaphore, #tpu.memory_space<semaphore_mem>>) src(%dma_wait3A_114 : memref<409600x128xf32, #tpu.memory_space<hbm>>) dst(%arg7 : memref<128x128xf32, #tpu.memory_space<vmem>>)
      %add3A_117 = arith.addi %mul3A_2, %add3A_104 : i32
      %dma_start3A_118 = arith.constant 0 : i32
      %dma_start3A_119 = arith.constant 0 : i32
      %dma_start3A_120 = arith.constant 0 : i32
      %dma_start3A_121 = tpu.memref_slice %arg4[%add3A_117, %dma_start3A_119, %dma_start3A_120] : memref<480x128x128xf32, #tpu.memory_space<hbm>> -> memref<1x128x128xf32, #tpu.memory_space<hbm>>
      %dma_start3A_122 = tpu.memref_squeeze %dma_start3A_121 : memref<1x128x128xf32, #tpu.memory_space<hbm>> -> memref<128x128xf32, #tpu.memory_space<hbm>>
      %dma_start3A_123 = tpu.memref_slice %arg13[%dma_start3A_118] : memref<5x!tpu.dma_semaphore, #tpu.memory_space<semaphore_mem>> -> memref<1x!tpu.dma_semaphore, #tpu.memory_space<semaphore_mem>>
      %dma_start3A_124 = tpu.memref_squeeze %dma_start3A_123 : memref<1x!tpu.dma_semaphore, #tpu.memory_space<semaphore_mem>> -> memref<!tpu.dma_semaphore, #tpu.memory_space<semaphore_mem>>
      %dma_start3A_125 = arith.constant 0 : i32
      %dma_start3A_126 = arith.constant 0 : i32
      %dma_start3A_127 = tpu.memref_slice %arg4[%add3A_117, %dma_start3A_125, %dma_start3A_126] : memref<480x128x128xf32, #tpu.memory_space<hbm>> -> memref<1x128x128xf32, #tpu.memory_space<hbm>>
      %dma_start3A_128 = tpu.memref_squeeze %dma_start3A_127 : memref<1x128x128xf32, #tpu.memory_space<hbm>> -> memref<128x128xf32, #tpu.memory_space<hbm>>
      tpu.enqueue_dma source(%arg7 : memref<128x128xf32, #tpu.memory_space<vmem>>) target(%dma_start3A_128 : memref<128x128xf32, #tpu.memory_space<hbm>>) target_semaphore(%dma_start3A_124 : memref<!tpu.dma_semaphore, #tpu.memory_space<semaphore_mem>>)
      %mul3A_129 = arith.constant 5 : i32
      %mul3A_130 = arith.muli %mul3A_129, %scan3A_100 : i32
      %add3A_131 = arith.constant 1 : i32
      %add3A_132 = arith.addi %mul3A_130, %add3A_131 : i32
      %add3A_133 = arith.constant 4 : i32
      %add3A_134 = arith.addi %add3A_132, %add3A_133 : i32
      %lt3A_135 = arith.constant 15 : i32
      %lt3A_136 = arith.cmpi slt, %add3A_134, %lt3A_135 : i32
      %convert_element_type3A_137 = arith.extui %lt3A_136 : i1 to i32
      %cond3A_138 = arith.constant 0 : i32
      %cond3A_139 = arith.cmpi ne, %convert_element_type3A_137, %cond3A_138 : i32
      scf.if %cond3A_139 {
        %ge3A = arith.constant 5 : i32
        %ge3A_253 = arith.cmpi sge, %add3A_134, %ge3A : i32
        %convert_element_type3A_254 = arith.extui %ge3A_253 : i1 to i32
        %cond3A_255 = arith.constant 0 : i32
        %cond3A_256 = arith.cmpi ne, %convert_element_type3A_254, %cond3A_255 : i32
        scf.if %cond3A_256 {
          %dma_wait3A_266 = arith.constant 0 : i32
          %dma_wait3A_267 = arith.constant 0 : i32
          %dma_wait3A_268 = arith.constant 0 : i32
          %dma_wait3A_269 = arith.constant 0 : i32
          %dma_wait3A_270 = tpu.memref_slice %arg4[%dma_wait3A_266, %dma_wait3A_268, %dma_wait3A_269] : memref<480x128x128xf32, #tpu.memory_space<hbm>> -> memref<1x128x128xf32, #tpu.memory_space<hbm>>
          %dma_wait3A_271 = tpu.memref_squeeze %dma_wait3A_270 : memref<1x128x128xf32, #tpu.memory_space<hbm>> -> memref<128x128xf32, #tpu.memory_space<hbm>>
          %dma_wait3A_272 = tpu.memref_slice %arg13[%dma_wait3A_267] : memref<5x!tpu.dma_semaphore, #tpu.memory_space<semaphore_mem>> -> memref<1x!tpu.dma_semaphore, #tpu.memory_space<semaphore_mem>>
          %dma_wait3A_273 = tpu.memref_squeeze %dma_wait3A_272 : memref<1x!tpu.dma_semaphore, #tpu.memory_space<semaphore_mem>> -> memref<!tpu.dma_semaphore, #tpu.memory_space<semaphore_mem>>
          %dma_wait3A_274 = arith.constant 0 : i32
          %dma_wait3A_275 = arith.constant 0 : i32
          %dma_wait3A_276 = tpu.memref_slice %arg4[%dma_wait3A_266, %dma_wait3A_274, %dma_wait3A_275] : memref<480x128x128xf32, #tpu.memory_space<hbm>> -> memref<1x128x128xf32, #tpu.memory_space<hbm>>
          %dma_wait3A_277 = tpu.memref_squeeze %dma_wait3A_276 : memref<1x128x128xf32, #tpu.memory_space<hbm>> -> memref<128x128xf32, #tpu.memory_space<hbm>>
          tpu.wait_dma2 semaphore(%dma_wait3A_273 : memref<!tpu.dma_semaphore, #tpu.memory_space<semaphore_mem>>) src(%arg7 : memref<128x128xf32, #tpu.memory_space<vmem>>) dst(%dma_wait3A_277 : memref<128x128xf32, #tpu.memory_space<hbm>>)
        } else {
        }
        %mul3A_257 = arith.constant 128 : i32
        %mul3A_258 = arith.muli %add3A_134, %mul3A_257 : i32
        %dma_start3A_259 = arith.constant 0 : i32
        %dma_start3A_260 = tpu.memref_slice %arg6[%mul3A_258] : memref<1920xi32, #tpu.memory_space<vmem>> -> memref<128xi32, #tpu.memory_space<vmem>>
        %dma_start3A_261 = arith.constant 0 : i32
        %dma_start3A_262 = arith.constant 0 : i32
        %dma_start3A_263 = tpu.memref_slice %arg2[%dma_start3A_261, %dma_start3A_262] : memref<409600x128xf32, #tpu.memory_space<hbm>> -> memref<409600x128xf32, #tpu.memory_space<hbm>>
        %dma_start3A_264 = tpu.memref_slice %arg12[%dma_start3A_259] : memref<5x!tpu.dma_semaphore, #tpu.memory_space<semaphore_mem>> -> memref<1x!tpu.dma_semaphore, #tpu.memory_space<semaphore_mem>>
        %dma_start3A_265 = tpu.memref_squeeze %dma_start3A_264 : memref<1x!tpu.dma_semaphore, #tpu.memory_space<semaphore_mem>> -> memref<!tpu.dma_semaphore, #tpu.memory_space<semaphore_mem>>
        tpu.enqueue_indirect_dma source(%dma_start3A_263 : memref<409600x128xf32, #tpu.memory_space<hbm>>) target(%arg7 : memref<128x128xf32, #tpu.memory_space<vmem>>) offsets(%dma_start3A_260 : memref<128xi32, #tpu.memory_space<vmem>>) semaphore(%dma_start3A_265 : memref<!tpu.dma_semaphore, #tpu.memory_space<semaphore_mem>>)
      } else {
      }
      %dma_wait3A_140 = arith.constant 1 : i32
      %dma_wait3A_141 = arith.constant 0 : i32
      %dma_wait3A_142 = tpu.memref_slice %arg6[%dma_wait3A_141] : memref<1920xi32, #tpu.memory_space<vmem>> -> memref<128xi32, #tpu.memory_space<vmem>>
      %dma_wait3A_143 = arith.constant 0 : i32
      %dma_wait3A_144 = arith.constant 0 : i32
      %dma_wait3A_145 = tpu.memref_slice %arg2[%dma_wait3A_143, %dma_wait3A_144] : memref<409600x128xf32, #tpu.memory_space<hbm>> -> memref<409600x128xf32, #tpu.memory_space<hbm>>
      %dma_wait3A_146 = tpu.memref_slice %arg12[%dma_wait3A_140] : memref<5x!tpu.dma_semaphore, #tpu.memory_space<semaphore_mem>> -> memref<1x!tpu.dma_semaphore, #tpu.memory_space<semaphore_mem>>
      %dma_wait3A_147 = tpu.memref_squeeze %dma_wait3A_146 : memref<1x!tpu.dma_semaphore, #tpu.memory_space<semaphore_mem>> -> memref<!tpu.dma_semaphore, #tpu.memory_space<semaphore_mem>>
      tpu.wait_indirect_dma semaphore(%dma_wait3A_147 : memref<!tpu.dma_semaphore, #tpu.memory_space<semaphore_mem>>) src(%dma_wait3A_145 : memref<409600x128xf32, #tpu.memory_space<hbm>>) dst(%arg8 : memref<128x128xf32, #tpu.memory_space<vmem>>)
      %add3A_148 = arith.addi %mul3A_2, %add3A_132 : i32
      %dma_start3A_149 = arith.constant 1 : i32
      %dma_start3A_150 = arith.constant 0 : i32
      %dma_start3A_151 = arith.constant 0 : i32
      %dma_start3A_152 = tpu.memref_slice %arg4[%add3A_148, %dma_start3A_150, %dma_start3A_151] : memref<480x128x128xf32, #tpu.memory_space<hbm>> -> memref<1x128x128xf32, #tpu.memory_space<hbm>>
      %dma_start3A_153 = tpu.memref_squeeze %dma_start3A_152 : memref<1x128x128xf32, #tpu.memory_space<hbm>> -> memref<128x128xf32, #tpu.memory_space<hbm>>
      %dma_start3A_154 = tpu.memref_slice %arg13[%dma_start3A_149] : memref<5x!tpu.dma_semaphore, #tpu.memory_space<semaphore_mem>> -> memref<1x!tpu.dma_semaphore, #tpu.memory_space<semaphore_mem>>
      %dma_start3A_155 = tpu.memref_squeeze %dma_start3A_154 : memref<1x!tpu.dma_semaphore, #tpu.memory_space<semaphore_mem>> -> memref<!tpu.dma_semaphore, #tpu.memory_space<semaphore_mem>>
      %dma_start3A_156 = arith.constant 0 : i32
      %dma_start3A_157 = arith.constant 0 : i32
      %dma_start3A_158 = tpu.memref_slice %arg4[%add3A_148, %dma_start3A_156, %dma_start3A_157] : memref<480x128x128xf32, #tpu.memory_space<hbm>> -> memref<1x128x128xf32, #tpu.memory_space<hbm>>
      %dma_start3A_159 = tpu.memref_squeeze %dma_start3A_158 : memref<1x128x128xf32, #tpu.memory_space<hbm>> -> memref<128x128xf32, #tpu.memory_space<hbm>>
      tpu.enqueue_dma source(%arg8 : memref<128x128xf32, #tpu.memory_space<vmem>>) target(%dma_start3A_159 : memref<128x128xf32, #tpu.memory_space<hbm>>) target_semaphore(%dma_start3A_155 : memref<!tpu.dma_semaphore, #tpu.memory_space<semaphore_mem>>)
      %mul3A_160 = arith.constant 5 : i32
      %mul3A_161 = arith.muli %mul3A_160, %scan3A_100 : i32
      %add3A_162 = arith.constant 2 : i32
      %add3A_163 = arith.addi %mul3A_161, %add3A_162 : i32
      %add3A_164 = arith.constant 4 : i32
      %add3A_165 = arith.addi %add3A_163, %add3A_164 : i32
      %lt3A_166 = arith.constant 15 : i32
      %lt3A_167 = arith.cmpi slt, %add3A_165, %lt3A_166 : i32
      %convert_element_type3A_168 = arith.extui %lt3A_167 : i1 to i32
      %cond3A_169 = arith.constant 0 : i32
      %cond3A_170 = arith.cmpi ne, %convert_element_type3A_168, %cond3A_169 : i32
      scf.if %cond3A_170 {
        %ge3A = arith.constant 5 : i32
        %ge3A_253 = arith.cmpi sge, %add3A_165, %ge3A : i32
        %convert_element_type3A_254 = arith.extui %ge3A_253 : i1 to i32
        %cond3A_255 = arith.constant 0 : i32
        %cond3A_256 = arith.cmpi ne, %convert_element_type3A_254, %cond3A_255 : i32
        scf.if %cond3A_256 {
          %dma_wait3A_266 = arith.constant 0 : i32
          %dma_wait3A_267 = arith.constant 1 : i32
          %dma_wait3A_268 = arith.constant 0 : i32
          %dma_wait3A_269 = arith.constant 0 : i32
          %dma_wait3A_270 = tpu.memref_slice %arg4[%dma_wait3A_266, %dma_wait3A_268, %dma_wait3A_269] : memref<480x128x128xf32, #tpu.memory_space<hbm>> -> memref<1x128x128xf32, #tpu.memory_space<hbm>>
          %dma_wait3A_271 = tpu.memref_squeeze %dma_wait3A_270 : memref<1x128x128xf32, #tpu.memory_space<hbm>> -> memref<128x128xf32, #tpu.memory_space<hbm>>
          %dma_wait3A_272 = tpu.memref_slice %arg13[%dma_wait3A_267] : memref<5x!tpu.dma_semaphore, #tpu.memory_space<semaphore_mem>> -> memref<1x!tpu.dma_semaphore, #tpu.memory_space<semaphore_mem>>
          %dma_wait3A_273 = tpu.memref_squeeze %dma_wait3A_272 : memref<1x!tpu.dma_semaphore, #tpu.memory_space<semaphore_mem>> -> memref<!tpu.dma_semaphore, #tpu.memory_space<semaphore_mem>>
          %dma_wait3A_274 = arith.constant 0 : i32
          %dma_wait3A_275 = arith.constant 0 : i32
          %dma_wait3A_276 = tpu.memref_slice %arg4[%dma_wait3A_266, %dma_wait3A_274, %dma_wait3A_275] : memref<480x128x128xf32, #tpu.memory_space<hbm>> -> memref<1x128x128xf32, #tpu.memory_space<hbm>>
          %dma_wait3A_277 = tpu.memref_squeeze %dma_wait3A_276 : memref<1x128x128xf32, #tpu.memory_space<hbm>> -> memref<128x128xf32, #tpu.memory_space<hbm>>
          tpu.wait_dma2 semaphore(%dma_wait3A_273 : memref<!tpu.dma_semaphore, #tpu.memory_space<semaphore_mem>>) src(%arg8 : memref<128x128xf32, #tpu.memory_space<vmem>>) dst(%dma_wait3A_277 : memref<128x128xf32, #tpu.memory_space<hbm>>)
        } else {
        }
        %mul3A_257 = arith.constant 128 : i32
        %mul3A_258 = arith.muli %add3A_165, %mul3A_257 : i32
        %dma_start3A_259 = arith.constant 1 : i32
        %dma_start3A_260 = tpu.memref_slice %arg6[%mul3A_258] : memref<1920xi32, #tpu.memory_space<vmem>> -> memref<128xi32, #tpu.memory_space<vmem>>
        %dma_start3A_261 = arith.constant 0 : i32
        %dma_start3A_262 = arith.constant 0 : i32
        %dma_start3A_263 = tpu.memref_slice %arg2[%dma_start3A_261, %dma_start3A_262] : memref<409600x128xf32, #tpu.memory_space<hbm>> -> memref<409600x128xf32, #tpu.memory_space<hbm>>
        %dma_start3A_264 = tpu.memref_slice %arg12[%dma_start3A_259] : memref<5x!tpu.dma_semaphore, #tpu.memory_space<semaphore_mem>> -> memref<1x!tpu.dma_semaphore, #tpu.memory_space<semaphore_mem>>
        %dma_start3A_265 = tpu.memref_squeeze %dma_start3A_264 : memref<1x!tpu.dma_semaphore, #tpu.memory_space<semaphore_mem>> -> memref<!tpu.dma_semaphore, #tpu.memory_space<semaphore_mem>>
        tpu.enqueue_indirect_dma source(%dma_start3A_263 : memref<409600x128xf32, #tpu.memory_space<hbm>>) target(%arg8 : memref<128x128xf32, #tpu.memory_space<vmem>>) offsets(%dma_start3A_260 : memref<128xi32, #tpu.memory_space<vmem>>) semaphore(%dma_start3A_265 : memref<!tpu.dma_semaphore, #tpu.memory_space<semaphore_mem>>)
      } else {
      }
      %dma_wait3A_171 = arith.constant 2 : i32
      %dma_wait3A_172 = arith.constant 0 : i32
      %dma_wait3A_173 = tpu.memref_slice %arg6[%dma_wait3A_172] : memref<1920xi32, #tpu.memory_space<vmem>> -> memref<128xi32, #tpu.memory_space<vmem>>
      %dma_wait3A_174 = arith.constant 0 : i32
      %dma_wait3A_175 = arith.constant 0 : i32
      %dma_wait3A_176 = tpu.memref_slice %arg2[%dma_wait3A_174, %dma_wait3A_175] : memref<409600x128xf32, #tpu.memory_space<hbm>> -> memref<409600x128xf32, #tpu.memory_space<hbm>>
      %dma_wait3A_177 = tpu.memref_slice %arg12[%dma_wait3A_171] : memref<5x!tpu.dma_semaphore, #tpu.memory_space<semaphore_mem>> -> memref<1x!tpu.dma_semaphore, #tpu.memory_space<semaphore_mem>>
      %dma_wait3A_178 = tpu.memref_squeeze %dma_wait3A_177 : memref<1x!tpu.dma_semaphore, #tpu.memory_space<semaphore_mem>> -> memref<!tpu.dma_semaphore, #tpu.memory_space<semaphore_mem>>
      tpu.wait_indirect_dma semaphore(%dma_wait3A_178 : memref<!tpu.dma_semaphore, #tpu.memory_space<semaphore_mem>>) src(%dma_wait3A_176 : memref<409600x128xf32, #tpu.memory_space<hbm>>) dst(%arg9 : memref<128x128xf32, #tpu.memory_space<vmem>>)
      %add3A_179 = arith.addi %mul3A_2, %add3A_163 : i32
      %dma_start3A_180 = arith.constant 2 : i32
      %dma_start3A_181 = arith.constant 0 : i32
      %dma_start3A_182 = arith.constant 0 : i32
      %dma_start3A_183 = tpu.memref_slice %arg4[%add3A_179, %dma_start3A_181, %dma_start3A_182] : memref<480x128x128xf32, #tpu.memory_space<hbm>> -> memref<1x128x128xf32, #tpu.memory_space<hbm>>
      %dma_start3A_184 = tpu.memref_squeeze %dma_start3A_183 : memref<1x128x128xf32, #tpu.memory_space<hbm>> -> memref<128x128xf32, #tpu.memory_space<hbm>>
      %dma_start3A_185 = tpu.memref_slice %arg13[%dma_start3A_180] : memref<5x!tpu.dma_semaphore, #tpu.memory_space<semaphore_mem>> -> memref<1x!tpu.dma_semaphore, #tpu.memory_space<semaphore_mem>>
      %dma_start3A_186 = tpu.memref_squeeze %dma_start3A_185 : memref<1x!tpu.dma_semaphore, #tpu.memory_space<semaphore_mem>> -> memref<!tpu.dma_semaphore, #tpu.memory_space<semaphore_mem>>
      %dma_start3A_187 = arith.constant 0 : i32
      %dma_start3A_188 = arith.constant 0 : i32
      %dma_start3A_189 = tpu.memref_slice %arg4[%add3A_179, %dma_start3A_187, %dma_start3A_188] : memref<480x128x128xf32, #tpu.memory_space<hbm>> -> memref<1x128x128xf32, #tpu.memory_space<hbm>>
      %dma_start3A_190 = tpu.memref_squeeze %dma_start3A_189 : memref<1x128x128xf32, #tpu.memory_space<hbm>> -> memref<128x128xf32, #tpu.memory_space<hbm>>
      tpu.enqueue_dma source(%arg9 : memref<128x128xf32, #tpu.memory_space<vmem>>) target(%dma_start3A_190 : memref<128x128xf32, #tpu.memory_space<hbm>>) target_semaphore(%dma_start3A_186 : memref<!tpu.dma_semaphore, #tpu.memory_space<semaphore_mem>>)
      %mul3A_191 = arith.constant 5 : i32
      %mul3A_192 = arith.muli %mul3A_191, %scan3A_100 : i32
      %add3A_193 = arith.constant 3 : i32
      %add3A_194 = arith.addi %mul3A_192, %add3A_193 : i32
      %add3A_195 = arith.constant 4 : i32
      %add3A_196 = arith.addi %add3A_194, %add3A_195 : i32
      %lt3A_197 = arith.constant 15 : i32
      %lt3A_198 = arith.cmpi slt, %add3A_196, %lt3A_197 : i32
      %convert_element_type3A_199 = arith.extui %lt3A_198 : i1 to i32
      %cond3A_200 = arith.constant 0 : i32
      %cond3A_201 = arith.cmpi ne, %convert_element_type3A_199, %cond3A_200 : i32
      scf.if %cond3A_201 {
        %ge3A = arith.constant 5 : i32
        %ge3A_253 = arith.cmpi sge, %add3A_196, %ge3A : i32
        %convert_element_type3A_254 = arith.extui %ge3A_253 : i1 to i32
        %cond3A_255 = arith.constant 0 : i32
        %cond3A_256 = arith.cmpi ne, %convert_element_type3A_254, %cond3A_255 : i32
        scf.if %cond3A_256 {
          %dma_wait3A_266 = arith.constant 0 : i32
          %dma_wait3A_267 = arith.constant 2 : i32
          %dma_wait3A_268 = arith.constant 0 : i32
          %dma_wait3A_269 = arith.constant 0 : i32
          %dma_wait3A_270 = tpu.memref_slice %arg4[%dma_wait3A_266, %dma_wait3A_268, %dma_wait3A_269] : memref<480x128x128xf32, #tpu.memory_space<hbm>> -> memref<1x128x128xf32, #tpu.memory_space<hbm>>
          %dma_wait3A_271 = tpu.memref_squeeze %dma_wait3A_270 : memref<1x128x128xf32, #tpu.memory_space<hbm>> -> memref<128x128xf32, #tpu.memory_space<hbm>>
          %dma_wait3A_272 = tpu.memref_slice %arg13[%dma_wait3A_267] : memref<5x!tpu.dma_semaphore, #tpu.memory_space<semaphore_mem>> -> memref<1x!tpu.dma_semaphore, #tpu.memory_space<semaphore_mem>>
          %dma_wait3A_273 = tpu.memref_squeeze %dma_wait3A_272 : memref<1x!tpu.dma_semaphore, #tpu.memory_space<semaphore_mem>> -> memref<!tpu.dma_semaphore, #tpu.memory_space<semaphore_mem>>
          %dma_wait3A_274 = arith.constant 0 : i32
          %dma_wait3A_275 = arith.constant 0 : i32
          %dma_wait3A_276 = tpu.memref_slice %arg4[%dma_wait3A_266, %dma_wait3A_274, %dma_wait3A_275] : memref<480x128x128xf32, #tpu.memory_space<hbm>> -> memref<1x128x128xf32, #tpu.memory_space<hbm>>
          %dma_wait3A_277 = tpu.memref_squeeze %dma_wait3A_276 : memref<1x128x128xf32, #tpu.memory_space<hbm>> -> memref<128x128xf32, #tpu.memory_space<hbm>>
          tpu.wait_dma2 semaphore(%dma_wait3A_273 : memref<!tpu.dma_semaphore, #tpu.memory_space<semaphore_mem>>) src(%arg9 : memref<128x128xf32, #tpu.memory_space<vmem>>) dst(%dma_wait3A_277 : memref<128x128xf32, #tpu.memory_space<hbm>>)
        } else {
        }
        %mul3A_257 = arith.constant 128 : i32
        %mul3A_258 = arith.muli %add3A_196, %mul3A_257 : i32
        %dma_start3A_259 = arith.constant 2 : i32
        %dma_start3A_260 = tpu.memref_slice %arg6[%mul3A_258] : memref<1920xi32, #tpu.memory_space<vmem>> -> memref<128xi32, #tpu.memory_space<vmem>>
        %dma_start3A_261 = arith.constant 0 : i32
        %dma_start3A_262 = arith.constant 0 : i32
        %dma_start3A_263 = tpu.memref_slice %arg2[%dma_start3A_261, %dma_start3A_262] : memref<409600x128xf32, #tpu.memory_space<hbm>> -> memref<409600x128xf32, #tpu.memory_space<hbm>>
        %dma_start3A_264 = tpu.memref_slice %arg12[%dma_start3A_259] : memref<5x!tpu.dma_semaphore, #tpu.memory_space<semaphore_mem>> -> memref<1x!tpu.dma_semaphore, #tpu.memory_space<semaphore_mem>>
        %dma_start3A_265 = tpu.memref_squeeze %dma_start3A_264 : memref<1x!tpu.dma_semaphore, #tpu.memory_space<semaphore_mem>> -> memref<!tpu.dma_semaphore, #tpu.memory_space<semaphore_mem>>
        tpu.enqueue_indirect_dma source(%dma_start3A_263 : memref<409600x128xf32, #tpu.memory_space<hbm>>) target(%arg9 : memref<128x128xf32, #tpu.memory_space<vmem>>) offsets(%dma_start3A_260 : memref<128xi32, #tpu.memory_space<vmem>>) semaphore(%dma_start3A_265 : memref<!tpu.dma_semaphore, #tpu.memory_space<semaphore_mem>>)
      } else {
      }
      %dma_wait3A_202 = arith.constant 3 : i32
      %dma_wait3A_203 = arith.constant 0 : i32
      %dma_wait3A_204 = tpu.memref_slice %arg6[%dma_wait3A_203] : memref<1920xi32, #tpu.memory_space<vmem>> -> memref<128xi32, #tpu.memory_space<vmem>>
      %dma_wait3A_205 = arith.constant 0 : i32
      %dma_wait3A_206 = arith.constant 0 : i32
      %dma_wait3A_207 = tpu.memref_slice %arg2[%dma_wait3A_205, %dma_wait3A_206] : memref<409600x128xf32, #tpu.memory_space<hbm>> -> memref<409600x128xf32, #tpu.memory_space<hbm>>
      %dma_wait3A_208 = tpu.memref_slice %arg12[%dma_wait3A_202] : memref<5x!tpu.dma_semaphore, #tpu.memory_space<semaphore_mem>> -> memref<1x!tpu.dma_semaphore, #tpu.memory_space<semaphore_mem>>
      %dma_wait3A_209 = tpu.memref_squeeze %dma_wait3A_208 : memref<1x!tpu.dma_semaphore, #tpu.memory_space<semaphore_mem>> -> memref<!tpu.dma_semaphore, #tpu.memory_space<semaphore_mem>>
      tpu.wait_indirect_dma semaphore(%dma_wait3A_209 : memref<!tpu.dma_semaphore, #tpu.memory_space<semaphore_mem>>) src(%dma_wait3A_207 : memref<409600x128xf32, #tpu.memory_space<hbm>>) dst(%arg10 : memref<128x128xf32, #tpu.memory_space<vmem>>)
      %add3A_210 = arith.addi %mul3A_2, %add3A_194 : i32
      %dma_start3A_211 = arith.constant 3 : i32
      %dma_start3A_212 = arith.constant 0 : i32
      %dma_start3A_213 = arith.constant 0 : i32
      %dma_start3A_214 = tpu.memref_slice %arg4[%add3A_210, %dma_start3A_212, %dma_start3A_213] : memref<480x128x128xf32, #tpu.memory_space<hbm>> -> memref<1x128x128xf32, #tpu.memory_space<hbm>>
      %dma_start3A_215 = tpu.memref_squeeze %dma_start3A_214 : memref<1x128x128xf32, #tpu.memory_space<hbm>> -> memref<128x128xf32, #tpu.memory_space<hbm>>
      %dma_start3A_216 = tpu.memref_slice %arg13[%dma_start3A_211] : memref<5x!tpu.dma_semaphore, #tpu.memory_space<semaphore_mem>> -> memref<1x!tpu.dma_semaphore, #tpu.memory_space<semaphore_mem>>
      %dma_start3A_217 = tpu.memref_squeeze %dma_start3A_216 : memref<1x!tpu.dma_semaphore, #tpu.memory_space<semaphore_mem>> -> memref<!tpu.dma_semaphore, #tpu.memory_space<semaphore_mem>>
      %dma_start3A_218 = arith.constant 0 : i32
      %dma_start3A_219 = arith.constant 0 : i32
      %dma_start3A_220 = tpu.memref_slice %arg4[%add3A_210, %dma_start3A_218, %dma_start3A_219] : memref<480x128x128xf32, #tpu.memory_space<hbm>> -> memref<1x128x128xf32, #tpu.memory_space<hbm>>
      %dma_start3A_221 = tpu.memref_squeeze %dma_start3A_220 : memref<1x128x128xf32, #tpu.memory_space<hbm>> -> memref<128x128xf32, #tpu.memory_space<hbm>>
      tpu.enqueue_dma source(%arg10 : memref<128x128xf32, #tpu.memory_space<vmem>>) target(%dma_start3A_221 : memref<128x128xf32, #tpu.memory_space<hbm>>) target_semaphore(%dma_start3A_217 : memref<!tpu.dma_semaphore, #tpu.memory_space<semaphore_mem>>)
      %mul3A_222 = arith.constant 5 : i32
      %mul3A_223 = arith.muli %mul3A_222, %scan3A_100 : i32
      %add3A_224 = arith.constant 4 : i32
      %add3A_225 = arith.addi %mul3A_223, %add3A_224 : i32
      %add3A_226 = arith.constant 4 : i32
      %add3A_227 = arith.addi %add3A_225, %add3A_226 : i32
      %lt3A_228 = arith.constant 15 : i32
      %lt3A_229 = arith.cmpi slt, %add3A_227, %lt3A_228 : i32
      %convert_element_type3A_230 = arith.extui %lt3A_229 : i1 to i32
      %cond3A_231 = arith.constant 0 : i32
      %cond3A_232 = arith.cmpi ne, %convert_element_type3A_230, %cond3A_231 : i32
      scf.if %cond3A_232 {
        %ge3A = arith.constant 5 : i32
        %ge3A_253 = arith.cmpi sge, %add3A_227, %ge3A : i32
        %convert_element_type3A_254 = arith.extui %ge3A_253 : i1 to i32
        %cond3A_255 = arith.constant 0 : i32
        %cond3A_256 = arith.cmpi ne, %convert_element_type3A_254, %cond3A_255 : i32
        scf.if %cond3A_256 {
          %dma_wait3A_266 = arith.constant 0 : i32
          %dma_wait3A_267 = arith.constant 3 : i32
          %dma_wait3A_268 = arith.constant 0 : i32
          %dma_wait3A_269 = arith.constant 0 : i32
          %dma_wait3A_270 = tpu.memref_slice %arg4[%dma_wait3A_266, %dma_wait3A_268, %dma_wait3A_269] : memref<480x128x128xf32, #tpu.memory_space<hbm>> -> memref<1x128x128xf32, #tpu.memory_space<hbm>>
          %dma_wait3A_271 = tpu.memref_squeeze %dma_wait3A_270 : memref<1x128x128xf32, #tpu.memory_space<hbm>> -> memref<128x128xf32, #tpu.memory_space<hbm>>
          %dma_wait3A_272 = tpu.memref_slice %arg13[%dma_wait3A_267] : memref<5x!tpu.dma_semaphore, #tpu.memory_space<semaphore_mem>> -> memref<1x!tpu.dma_semaphore, #tpu.memory_space<semaphore_mem>>
          %dma_wait3A_273 = tpu.memref_squeeze %dma_wait3A_272 : memref<1x!tpu.dma_semaphore, #tpu.memory_space<semaphore_mem>> -> memref<!tpu.dma_semaphore, #tpu.memory_space<semaphore_mem>>
          %dma_wait3A_274 = arith.constant 0 : i32
          %dma_wait3A_275 = arith.constant 0 : i32
          %dma_wait3A_276 = tpu.memref_slice %arg4[%dma_wait3A_266, %dma_wait3A_274, %dma_wait3A_275] : memref<480x128x128xf32, #tpu.memory_space<hbm>> -> memref<1x128x128xf32, #tpu.memory_space<hbm>>
          %dma_wait3A_277 = tpu.memref_squeeze %dma_wait3A_276 : memref<1x128x128xf32, #tpu.memory_space<hbm>> -> memref<128x128xf32, #tpu.memory_space<hbm>>
          tpu.wait_dma2 semaphore(%dma_wait3A_273 : memref<!tpu.dma_semaphore, #tpu.memory_space<semaphore_mem>>) src(%arg10 : memref<128x128xf32, #tpu.memory_space<vmem>>) dst(%dma_wait3A_277 : memref<128x128xf32, #tpu.memory_space<hbm>>)
        } else {
        }
        %mul3A_257 = arith.constant 128 : i32
        %mul3A_258 = arith.muli %add3A_227, %mul3A_257 : i32
        %dma_start3A_259 = arith.constant 3 : i32
        %dma_start3A_260 = tpu.memref_slice %arg6[%mul3A_258] : memref<1920xi32, #tpu.memory_space<vmem>> -> memref<128xi32, #tpu.memory_space<vmem>>
        %dma_start3A_261 = arith.constant 0 : i32
        %dma_start3A_262 = arith.constant 0 : i32
        %dma_start3A_263 = tpu.memref_slice %arg2[%dma_start3A_261, %dma_start3A_262] : memref<409600x128xf32, #tpu.memory_space<hbm>> -> memref<409600x128xf32, #tpu.memory_space<hbm>>
        %dma_start3A_264 = tpu.memref_slice %arg12[%dma_start3A_259] : memref<5x!tpu.dma_semaphore, #tpu.memory_space<semaphore_mem>> -> memref<1x!tpu.dma_semaphore, #tpu.memory_space<semaphore_mem>>
        %dma_start3A_265 = tpu.memref_squeeze %dma_start3A_264 : memref<1x!tpu.dma_semaphore, #tpu.memory_space<semaphore_mem>> -> memref<!tpu.dma_semaphore, #tpu.memory_space<semaphore_mem>>
        tpu.enqueue_indirect_dma source(%dma_start3A_263 : memref<409600x128xf32, #tpu.memory_space<hbm>>) target(%arg10 : memref<128x128xf32, #tpu.memory_space<vmem>>) offsets(%dma_start3A_260 : memref<128xi32, #tpu.memory_space<vmem>>) semaphore(%dma_start3A_265 : memref<!tpu.dma_semaphore, #tpu.memory_space<semaphore_mem>>)
      } else {
      }
      %dma_wait3A_233 = arith.constant 4 : i32
      %dma_wait3A_234 = arith.constant 0 : i32
      %dma_wait3A_235 = tpu.memref_slice %arg6[%dma_wait3A_234] : memref<1920xi32, #tpu.memory_space<vmem>> -> memref<128xi32, #tpu.memory_space<vmem>>
      %dma_wait3A_236 = arith.constant 0 : i32
      %dma_wait3A_237 = arith.constant 0 : i32
      %dma_wait3A_238 = tpu.memref_slice %arg2[%dma_wait3A_236, %dma_wait3A_237] : memref<409600x128xf32, #tpu.memory_space<hbm>> -> memref<409600x128xf32, #tpu.memory_space<hbm>>
      %dma_wait3A_239 = tpu.memref_slice %arg12[%dma_wait3A_233] : memref<5x!tpu.dma_semaphore, #tpu.memory_space<semaphore_mem>> -> memref<1x!tpu.dma_semaphore, #tpu.memory_space<semaphore_mem>>
      %dma_wait3A_240 = tpu.memref_squeeze %dma_wait3A_239 : memref<1x!tpu.dma_semaphore, #tpu.memory_space<semaphore_mem>> -> memref<!tpu.dma_semaphore, #tpu.memory_space<semaphore_mem>>
      tpu.wait_indirect_dma semaphore(%dma_wait3A_240 : memref<!tpu.dma_semaphore, #tpu.memory_space<semaphore_mem>>) src(%dma_wait3A_238 : memref<409600x128xf32, #tpu.memory_space<hbm>>) dst(%arg11 : memref<128x128xf32, #tpu.memory_space<vmem>>)
      %add3A_241 = arith.addi %mul3A_2, %add3A_225 : i32
      %dma_start3A_242 = arith.constant 4 : i32
      %dma_start3A_243 = arith.constant 0 : i32
      %dma_start3A_244 = arith.constant 0 : i32
      %dma_start3A_245 = tpu.memref_slice %arg4[%add3A_241, %dma_start3A_243, %dma_start3A_244] : memref<480x128x128xf32, #tpu.memory_space<hbm>> -> memref<1x128x128xf32, #tpu.memory_space<hbm>>
      %dma_start3A_246 = tpu.memref_squeeze %dma_start3A_245 : memref<1x128x128xf32, #tpu.memory_space<hbm>> -> memref<128x128xf32, #tpu.memory_space<hbm>>
      %dma_start3A_247 = tpu.memref_slice %arg13[%dma_start3A_242] : memref<5x!tpu.dma_semaphore, #tpu.memory_space<semaphore_mem>> -> memref<1x!tpu.dma_semaphore, #tpu.memory_space<semaphore_mem>>
      %dma_start3A_248 = tpu.memref_squeeze %dma_start3A_247 : memref<1x!tpu.dma_semaphore, #tpu.memory_space<semaphore_mem>> -> memref<!tpu.dma_semaphore, #tpu.memory_space<semaphore_mem>>
      %dma_start3A_249 = arith.constant 0 : i32
      %dma_start3A_250 = arith.constant 0 : i32
      %dma_start3A_251 = tpu.memref_slice %arg4[%add3A_241, %dma_start3A_249, %dma_start3A_250] : memref<480x128x128xf32, #tpu.memory_space<hbm>> -> memref<1x128x128xf32, #tpu.memory_space<hbm>>
      %dma_start3A_252 = tpu.memref_squeeze %dma_start3A_251 : memref<1x128x128xf32, #tpu.memory_space<hbm>> -> memref<128x128xf32, #tpu.memory_space<hbm>>
      tpu.enqueue_dma source(%arg11 : memref<128x128xf32, #tpu.memory_space<vmem>>) target(%dma_start3A_252 : memref<128x128xf32, #tpu.memory_space<hbm>>) target_semaphore(%dma_start3A_248 : memref<!tpu.dma_semaphore, #tpu.memory_space<semaphore_mem>>)
    }
    %scan3A_40 = arith.constant 3 : i32
    %dma_wait3A = arith.constant 0 : i32
    %dma_wait3A_41 = arith.constant 0 : i32
    %dma_wait3A_42 = arith.constant 0 : i32
    %dma_wait3A_43 = arith.constant 0 : i32
    %dma_wait3A_44 = tpu.memref_slice %arg4[%dma_wait3A, %dma_wait3A_42, %dma_wait3A_43] : memref<480x128x128xf32, #tpu.memory_space<hbm>> -> memref<1x128x128xf32, #tpu.memory_space<hbm>>
    %dma_wait3A_45 = tpu.memref_squeeze %dma_wait3A_44 : memref<1x128x128xf32, #tpu.memory_space<hbm>> -> memref<128x128xf32, #tpu.memory_space<hbm>>
    %dma_wait3A_46 = tpu.memref_slice %arg13[%dma_wait3A_41] : memref<5x!tpu.dma_semaphore, #tpu.memory_space<semaphore_mem>> -> memref<1x!tpu.dma_semaphore, #tpu.memory_space<semaphore_mem>>
    %dma_wait3A_47 = tpu.memref_squeeze %dma_wait3A_46 : memref<1x!tpu.dma_semaphore, #tpu.memory_space<semaphore_mem>> -> memref<!tpu.dma_semaphore, #tpu.memory_space<semaphore_mem>>
    %dma_wait3A_48 = arith.constant 0 : i32
    %dma_wait3A_49 = arith.constant 0 : i32
    %dma_wait3A_50 = tpu.memref_slice %arg4[%dma_wait3A, %dma_wait3A_48, %dma_wait3A_49] : memref<480x128x128xf32, #tpu.memory_space<hbm>> -> memref<1x128x128xf32, #tpu.memory_space<hbm>>
    %dma_wait3A_51 = tpu.memref_squeeze %dma_wait3A_50 : memref<1x128x128xf32, #tpu.memory_space<hbm>> -> memref<128x128xf32, #tpu.memory_space<hbm>>
    tpu.wait_dma2 semaphore(%dma_wait3A_47 : memref<!tpu.dma_semaphore, #tpu.memory_space<semaphore_mem>>) src(%arg7 : memref<128x128xf32, #tpu.memory_space<vmem>>) dst(%dma_wait3A_51 : memref<128x128xf32, #tpu.memory_space<hbm>>)
    %dma_wait3A_52 = arith.constant 0 : i32
    %dma_wait3A_53 = arith.constant 1 : i32
    %dma_wait3A_54 = arith.constant 0 : i32
    %dma_wait3A_55 = arith.constant 0 : i32
    %dma_wait3A_56 = tpu.memref_slice %arg4[%dma_wait3A_52, %dma_wait3A_54, %dma_wait3A_55] : memref<480x128x128xf32, #tpu.memory_space<hbm>> -> memref<1x128x128xf32, #tpu.memory_space<hbm>>
    %dma_wait3A_57 = tpu.memref_squeeze %dma_wait3A_56 : memref<1x128x128xf32, #tpu.memory_space<hbm>> -> memref<128x128xf32, #tpu.memory_space<hbm>>
    %dma_wait3A_58 = tpu.memref_slice %arg13[%dma_wait3A_53] : memref<5x!tpu.dma_semaphore, #tpu.memory_space<semaphore_mem>> -> memref<1x!tpu.dma_semaphore, #tpu.memory_space<semaphore_mem>>
    %dma_wait3A_59 = tpu.memref_squeeze %dma_wait3A_58 : memref<1x!tpu.dma_semaphore, #tpu.memory_space<semaphore_mem>> -> memref<!tpu.dma_semaphore, #tpu.memory_space<semaphore_mem>>
    %dma_wait3A_60 = arith.constant 0 : i32
    %dma_wait3A_61 = arith.constant 0 : i32
    %dma_wait3A_62 = tpu.memref_slice %arg4[%dma_wait3A_52, %dma_wait3A_60, %dma_wait3A_61] : memref<480x128x128xf32, #tpu.memory_space<hbm>> -> memref<1x128x128xf32, #tpu.memory_space<hbm>>
    %dma_wait3A_63 = tpu.memref_squeeze %dma_wait3A_62 : memref<1x128x128xf32, #tpu.memory_space<hbm>> -> memref<128x128xf32, #tpu.memory_space<hbm>>
    tpu.wait_dma2 semaphore(%dma_wait3A_59 : memref<!tpu.dma_semaphore, #tpu.memory_space<semaphore_mem>>) src(%arg8 : memref<128x128xf32, #tpu.memory_space<vmem>>) dst(%dma_wait3A_63 : memref<128x128xf32, #tpu.memory_space<hbm>>)
    %dma_wait3A_64 = arith.constant 0 : i32
    %dma_wait3A_65 = arith.constant 2 : i32
    %dma_wait3A_66 = arith.constant 0 : i32
    %dma_wait3A_67 = arith.constant 0 : i32
    %dma_wait3A_68 = tpu.memref_slice %arg4[%dma_wait3A_64, %dma_wait3A_66, %dma_wait3A_67] : memref<480x128x128xf32, #tpu.memory_space<hbm>> -> memref<1x128x128xf32, #tpu.memory_space<hbm>>
    %dma_wait3A_69 = tpu.memref_squeeze %dma_wait3A_68 : memref<1x128x128xf32, #tpu.memory_space<hbm>> -> memref<128x128xf32, #tpu.memory_space<hbm>>
    %dma_wait3A_70 = tpu.memref_slice %arg13[%dma_wait3A_65] : memref<5x!tpu.dma_semaphore, #tpu.memory_space<semaphore_mem>> -> memref<1x!tpu.dma_semaphore, #tpu.memory_space<semaphore_mem>>
    %dma_wait3A_71 = tpu.memref_squeeze %dma_wait3A_70 : memref<1x!tpu.dma_semaphore, #tpu.memory_space<semaphore_mem>> -> memref<!tpu.dma_semaphore, #tpu.memory_space<semaphore_mem>>
    %dma_wait3A_72 = arith.constant 0 : i32
    %dma_wait3A_73 = arith.constant 0 : i32
    %dma_wait3A_74 = tpu.memref_slice %arg4[%dma_wait3A_64, %dma_wait3A_72, %dma_wait3A_73] : memref<480x128x128xf32, #tpu.memory_space<hbm>> -> memref<1x128x128xf32, #tpu.memory_space<hbm>>
    %dma_wait3A_75 = tpu.memref_squeeze %dma_wait3A_74 : memref<1x128x128xf32, #tpu.memory_space<hbm>> -> memref<128x128xf32, #tpu.memory_space<hbm>>
    tpu.wait_dma2 semaphore(%dma_wait3A_71 : memref<!tpu.dma_semaphore, #tpu.memory_space<semaphore_mem>>) src(%arg9 : memref<128x128xf32, #tpu.memory_space<vmem>>) dst(%dma_wait3A_75 : memref<128x128xf32, #tpu.memory_space<hbm>>)
    %dma_wait3A_76 = arith.constant 0 : i32
    %dma_wait3A_77 = arith.constant 3 : i32
    %dma_wait3A_78 = arith.constant 0 : i32
    %dma_wait3A_79 = arith.constant 0 : i32
    %dma_wait3A_80 = tpu.memref_slice %arg4[%dma_wait3A_76, %dma_wait3A_78, %dma_wait3A_79] : memref<480x128x128xf32, #tpu.memory_space<hbm>> -> memref<1x128x128xf32, #tpu.memory_space<hbm>>
    %dma_wait3A_81 = tpu.memref_squeeze %dma_wait3A_80 : memref<1x128x128xf32, #tpu.memory_space<hbm>> -> memref<128x128xf32, #tpu.memory_space<hbm>>
    %dma_wait3A_82 = tpu.memref_slice %arg13[%dma_wait3A_77] : memref<5x!tpu.dma_semaphore, #tpu.memory_space<semaphore_mem>> -> memref<1x!tpu.dma_semaphore, #tpu.memory_space<semaphore_mem>>
    %dma_wait3A_83 = tpu.memref_squeeze %dma_wait3A_82 : memref<1x!tpu.dma_semaphore, #tpu.memory_space<semaphore_mem>> -> memref<!tpu.dma_semaphore, #tpu.memory_space<semaphore_mem>>
    %dma_wait3A_84 = arith.constant 0 : i32
    %dma_wait3A_85 = arith.constant 0 : i32
    %dma_wait3A_86 = tpu.memref_slice %arg4[%dma_wait3A_76, %dma_wait3A_84, %dma_wait3A_85] : memref<480x128x128xf32, #tpu.memory_space<hbm>> -> memref<1x128x128xf32, #tpu.memory_space<hbm>>
    %dma_wait3A_87 = tpu.memref_squeeze %dma_wait3A_86 : memref<1x128x128xf32, #tpu.memory_space<hbm>> -> memref<128x128xf32, #tpu.memory_space<hbm>>
    tpu.wait_dma2 semaphore(%dma_wait3A_83 : memref<!tpu.dma_semaphore, #tpu.memory_space<semaphore_mem>>) src(%arg10 : memref<128x128xf32, #tpu.memory_space<vmem>>) dst(%dma_wait3A_87 : memref<128x128xf32, #tpu.memory_space<hbm>>)
    %dma_wait3A_88 = arith.constant 0 : i32
    %dma_wait3A_89 = arith.constant 4 : i32
    %dma_wait3A_90 = arith.constant 0 : i32
    %dma_wait3A_91 = arith.constant 0 : i32
    %dma_wait3A_92 = tpu.memref_slice %arg4[%dma_wait3A_88, %dma_wait3A_90, %dma_wait3A_91] : memref<480x128x128xf32, #tpu.memory_space<hbm>> -> memref<1x128x128xf32, #tpu.memory_space<hbm>>
    %dma_wait3A_93 = tpu.memref_squeeze %dma_wait3A_92 : memref<1x128x128xf32, #tpu.memory_space<hbm>> -> memref<128x128xf32, #tpu.memory_space<hbm>>
    %dma_wait3A_94 = tpu.memref_slice %arg13[%dma_wait3A_89] : memref<5x!tpu.dma_semaphore, #tpu.memory_space<semaphore_mem>> -> memref<1x!tpu.dma_semaphore, #tpu.memory_space<semaphore_mem>>
    %dma_wait3A_95 = tpu.memref_squeeze %dma_wait3A_94 : memref<1x!tpu.dma_semaphore, #tpu.memory_space<semaphore_mem>> -> memref<!tpu.dma_semaphore, #tpu.memory_space<semaphore_mem>>
    %dma_wait3A_96 = arith.constant 0 : i32
    %dma_wait3A_97 = arith.constant 0 : i32
    %dma_wait3A_98 = tpu.memref_slice %arg4[%dma_wait3A_88, %dma_wait3A_96, %dma_wait3A_97] : memref<480x128x128xf32, #tpu.memory_space<hbm>> -> memref<1x128x128xf32, #tpu.memory_space<hbm>>
    %dma_wait3A_99 = tpu.memref_squeeze %dma_wait3A_98 : memref<1x128x128xf32, #tpu.memory_space<hbm>> -> memref<128x128xf32, #tpu.memory_space<hbm>>
    tpu.wait_dma2 semaphore(%dma_wait3A_95 : memref<!tpu.dma_semaphore, #tpu.memory_space<semaphore_mem>>) src(%arg11 : memref<128x128xf32, #tpu.memory_space<vmem>>) dst(%dma_wait3A_99 : memref<128x128xf32, #tpu.memory_space<hbm>>)
    return
  }
}

</mosaic_0001>

<sc_bundles>
// kernel: kernel.3.cloned.1.call-start
scs
__scs_entry_jumppad:
0x0: {  	(pc) =	sbr.rel $0x88, $3  }
0x1: {  	(tag) =	ssettag $0x0;
	lr =	simm.s32 $0x1  }
0x2: {  	[smem:$0x3F9F] =	sst lr;
	_ =	strace $0xD0000000  }
0x3: {  	_ = 	snop  }
0x4: {  	_ = 	snop  }
0x5: {  	_ = 	snop  }
0x6: {  	_ = 	snop  }
0x7: {  	_ = 	snop  }
__scs_overlays_trampoline_lowered:
0x8: {  	[smem:$0x3FAE] =	sst s0  }
0x9: {  	[smem:$0x3FAF] =	sst s1  }
0xa: {  	[smem:$0x3FB0] =	sst s2  }
0xb: {  	[smem:$0x3FB1] =	sst s3  }
0xc: {  	[smem:$0x3FB2] =	sst s4  }
0xd: {  	[smem:$0x3FB3] =	sst s5  }
0xe: {  	[smem:$0x3FB4] =	sst s6  }
0xf: {  	[smem:$0x3FB5] =	sst s7  }
0x10: {  	[smem:$0x3FB6] =	sst s8  }
0x11: {  	[smem:$0x3FB7] =	sst s9;
	s0 =	simm.s32 @!p0 $0x0  }
0x12: {  	s1 =	sld [smem:$0x3F9D];
	s0 =	simm.s32 @p0 $0x1  }
0x13: {  	[smem:$0x3FB8] =	sst s0;
	s0 =	simm.s32 @!p1 $0x0  }
0x14: {  	s2 =	sld [smem:$0x3F9C];
	s0 =	simm.s32 @p1 $0x1  }
0x15: {  	[smem:$0x3FB9] =	sst s0;
	s0 =	simm.s32 @!p2 $0x0  }
0x16: {  	s3 =	sld [smem:$0x3FDB];
	s0 =	simm.s32 @p2 $0x1  }
0x17: {  	s4 =	simm.s32 $0x1BF5;
	[smem:$0x3FBB] =	sst s0  }
0x18: {  	s0 =	sld [smem:$0x3F9E];
	_ =	swait.ge [sflag:s4], $0x0  }
0x19: {  	s7 =	sld [smem:$0x3F9F]  }
0x1a: {  	s8 =	sadd.s32 $0xFFFFE003, lr  }
0x1b: {  	s9 =	sadd.s32 $0xFFFFFEF7, lr;
	s5 =	simm.s32 $0xFFFFFFFF;
	p2 =	slt.u32 s8, $0xFFFFF086  }
0x1c: {  	p1 =	slt.u32 s9, $0xF7A;
	s5 =	simm.s32 @!p2 $0x0  }
0x1d: {  	s5 =	simm.s32 @p1 $0x1;
	p0 =	seq.s32 s7, s2  }
0x1e: {  	s7 =	smul.u32 @!p0 $0xF7A, s2;
	p2 =	seq.s32 @!p0 s5, $0x0  }
0x1f: {  	s9 =	smul.u32 $0xF7A, s1;
	s8 =	simm.s32 @!p0 $0x1BF5;
	p2 =	por !p2, p0  }
0x20: {  	[sflag:s8] =	ssyncset.s32 @!p0 $0xFFFFF086;
	s6 =	sadd.s32 @!p0 s3, s7;
	s7 =	simm.s32 @!p0 $0x108  }
0x21: {  	s3 =	sadd.s32 s3, s9;
	s6 =	sadd.s32 @!p0 $0x88, s6;
	s7 =	simm.s32 @p2 $0x1082  }
0x22: {  	[simem:s7], [sflag:s8] =	dma.local @!p0 [hbm:s6], $0xF7A  }
0x23: {  	s9 =	sor.u32 $0xD0000000, s2;
	s6 =	simm.s32 $0x108;
	_ =	swait.ge @!p0 [sflag:s8], $0x0  }
0x24: {  	s3 =	sadd.s32 $0x88, s3;
	s6 =	simm.s32 @!p1 $0x1082;
	[sflag:s4] =	ssyncset.s32 $0xFFFFF086  }
0x25: {  	[simem:s6], [sflag:s4] =	dma.local [hbm:s3], $0xF7A  }
0x26: {  	[smem:$0x3F9F] =	sst s1;
	(tag) =	ssettag s2;
	_ =	strace s9  }
0x27: {  	s1 =	sld [smem:$0x3FAF]  }
0x28: {  	s2 =	sld [smem:$0x3FB0]  }
0x29: {  	s4 =	sld [smem:$0x3FB2]  }
0x2a: {  	p0 =	seq.s32 s5, $0x0;
	s5 =	sld [smem:$0x3FB3]  }
0x2b: {  	s6 =	sld [smem:$0x3FB4]  }
0x2c: {  	s7 =	sld [smem:$0x3FB5]  }
0x2d: {  	s3 =	simm.s32 $0x108;
	s8 =	sld [smem:$0x3FB6]  }
0x2e: {  	s3 =	simm.s32 @!p0 $0x1082;
	s9 =	sld [smem:$0x3FB7]  }
0x2f: {  	lr =	sadd.s32 s0, s3;
	s0 =	sld [smem:$0x3FAE]  }
0x30: {  	s3 =	sld [smem:$0x3FB1]  }
0x31: {  	[smem:$0x3FBA] =	sst s10  }
0x32: {  	s10 =	sld [smem:$0x3FB8];
	_ =	sdelay $0x3  }
0x33: {  	p0 =	seq.s32 s10, $0x1;
	s10 =	sld [smem:$0x3FBA];
	_ =	sdelay $0x3  }
0x34: {  	[smem:$0x3FBA] =	sst s10  }
0x35: {  	s10 =	sld [smem:$0x3FB9];
	_ =	sdelay $0x3  }
0x36: {  	p1 =	seq.s32 s10, $0x1;
	s10 =	sld [smem:$0x3FBA];
	_ =	sdelay $0x3  }
0x37: {  	[smem:$0x3FBA] =	sst s10  }
0x38: {  	s10 =	sld [smem:$0x3FBB]  }
0x39: {  	_ = 	snop;
	(pc) =	sbr.ind lr, $3  }
0x3a: {  	_ = 	snop  }
0x3b: {  	_ = 	snop  }
0x3c: {  	p2 =	seq.s32 s10, $0x1;
	s10 =	sld [smem:$0x3FBA]  }
0x3d: {  	_ =	shalt  }
0x3e: {  	_ =	shalt  }
0x3f: {  	_ =	shalt  }
0x40: {  	_ =	shalt  }
0x41: {  	_ =	shalt  }
0x42: {  	_ =	shalt  }
0x43: {  	_ =	shalt  }
0x44: {  	_ =	shalt  }
0x45: {  	_ =	shalt  }
0x46: {  	_ =	shalt  }
0x47: {  	_ =	shalt  }
0x48: {  	_ =	shalt  }
0x49: {  	_ =	shalt  }
0x4a: {  	_ =	shalt  }
0x4b: {  	_ =	shalt  }
0x4c: {  	_ =	shalt  }
0x4d: {  	_ =	shalt  }
0x4e: {  	_ =	shalt  }
0x4f: {  	_ =	shalt  }
0x50: {  	_ =	shalt  }
0x51: {  	_ =	shalt  }
0x52: {  	_ =	shalt  }
0x53: {  	_ =	shalt  }
0x54: {  	_ =	shalt  }
0x55: {  	_ =	shalt  }
0x56: {  	_ =	shalt  }
0x57: {  	_ =	shalt  }
0x58: {  	_ =	shalt  }
0x59: {  	_ =	shalt  }
0x5a: {  	_ =	shalt  }
0x5b: {  	_ =	shalt  }
0x5c: {  	_ =	shalt  }
0x5d: {  	_ =	shalt  }
0x5e: {  	_ =	shalt  }
0x5f: {  	_ =	shalt  }
0x60: {  	_ =	shalt  }
0x61: {  	_ =	shalt  }
0x62: {  	_ =	shalt  }
0x63: {  	_ =	shalt  }
0x64: {  	_ =	shalt  }
0x65: {  	_ =	shalt  }
0x66: {  	_ =	shalt  }
0x67: {  	_ =	shalt  }
0x68: {  	_ =	shalt  }
0x69: {  	_ =	shalt  }
0x6a: {  	_ =	shalt  }
0x6b: {  	_ =	shalt  }
0x6c: {  	_ =	shalt  }
0x6d: {  	_ =	shalt  }
0x6e: {  	_ =	shalt  }
0x6f: {  	_ =	shalt  }
0x70: {  	_ =	shalt  }
0x71: {  	_ =	shalt  }
0x72: {  	_ =	shalt  }
0x73: {  	_ =	shalt  }
0x74: {  	_ =	shalt  }
0x75: {  	_ =	shalt  }
0x76: {  	_ =	shalt  }
0x77: {  	_ =	shalt  }
0x78: {  	_ =	shalt  }
0x79: {  	_ =	shalt  }
0x7a: {  	_ =	shalt  }
0x7b: {  	_ =	shalt  }
0x7c: {  	_ =	shalt  }
0x7d: {  	_ =	shalt  }
0x7e: {  	_ =	shalt  }
0x7f: {  	_ =	shalt  }
0x80: {  	_ =	shalt  }
0x81: {  	_ =	shalt  }
0x82: {  	_ =	shalt  }
0x83: {  	_ =	shalt  }
0x84: {  	_ =	shalt  }
0x85: {  	_ =	shalt  }
0x86: {  	_ =	shalt  }
0x87: {  	_ =	shalt  }
.Lfunc_end0:
.L_simem_size_0:
called_computation_lowered:
.L_overlay_start_0:
0x88: {  	s2 =	sld [smem:$0x3FD9]  }
0x89: {  	s3 =	sld [smem:$0x3FFE];
	_ =	sdelay $0x1  }
0x8a: {  	s1 =	srdreg.scid  }
0x8b: {  	s0 =	sand.u32 $0x1, s1  }
0x8c: {  	s18 =	sshll.u32 s0, $0xA;
	s2 =	sadd.s32 s3, s2  }
0x8d: {  	s2 =	sadd.s32 s2, s18  }
0x8e: {  	[smem:$0x3FC6] =	sst s2  }
0x8f: {  	_ = 	snop  }
0x90: {  	s2 =	sld [smem:$0x3FC9]  }
0x91: {  	s19 =	sld [smem:$0x3FC8]  }
0x92: {  	s4 =	sld [smem:$0x3FD0];
	(tm) =	ssettm $0x1  }
0x93: {  	s5 =	sld [smem:$0x3FFB];
	_ =	sdelay $0x3  }
0x94: {  	_ =	strace s5  }
0x95: {  	s5 =	sld [smem:$0x3FFC];
	_ =	sdelay $0x3  }
0x96: {  	_ =	strace s5  }
0x97: {  	s5 =	sld [smem:$0x3FFD];
	_ =	sdelay $0x3  }
0x98: {  	_ =	strace s5  }
0x99: {  	_ =	strace $0x8FFFFFFF  }
0x9a: {  	s20 =	sld [smem:$0x3FDB];
	_ =	sdelay $0x1  }
0x9b: {  	s6 =	simm.s32 $_scs_section_size  }
0x9c: {  	s7 =	simm.s32 $_size__tile_overlayer_lowered;
	s8 =	simm.s32 $_tile_overlayer_lowered  }
0x9d: {  	s23 =	simm.s32 $0x1BFF;
	s22 =	sshll.u32 s8, $0x1;
	s5 =	sadd.s32 s6, s20  }
0x9e: {  	s9 =	simm.s32 $0x0;
	s21 =	sshll.u32 s7, $0x1;
	s7 =	sadd.s32 s22, s5  }
0x9f: {  	[timem:s9], [sflag:s23] =	dma.local [hbm:s7], s21  }
0xa0: {  	_ =	swait.ge [sflag:s23], s21  }
0xa1: {  	s6 =	ssub.s32 $0x0, s21;
	[sflag:s23] =	ssyncset.done $0x0  }
0xa2: {  	[sflag:s23] =	ssyncadd.s32 s6;
	_ =	sdelay $0x1  }
0xa3: {  	s24 =	simm.s32 $0x1B8B  }
0xa4: {  	_ =	swait.ge [sflag:s24], $0x1  }
0xa5: {  	[sflag:s24] =	ssyncset.done $0x0  }
0xa6: {  	s25 =	simm.s32 $0x1B8E;
	[sflag:s24] =	ssyncadd.s32 $0xFFFFFFFF  }
0xa7: {  	s26 =	simm.s32 $execute0_lowered;
	[smem:$0x3FD2] =	sst s25  }
0xa8: {  	s6 =	sshll.u32 s26, $0x1;
	_ =	strace $0x80000046;
	[dreg:$0x1] =	wrdreg $0xFFFFFFFF  }
0xa9: {  	s28 =	simm.s32 $_size_execute0_lowered;
	s5 =	sadd.s32 s5, s6;
	[dreg:$0x0] =	wrdreg $0x0  }
0xaa: {  	s6 =	sshll.u32 s28, $0x1;
	[dreg:$0x2] =	wrdreg s5  }
0xab: {  	[dreg:$0x3] =	wrdreg s6  }
0xac: {  	[dreg:$0x4] =	wrdreg $0xC0  }
0xad: {  	_ =	task [dreg:s9], $0x5FFFF  }
0xae: {  	[dreg:$0x1] =	wrdreg $0xFFFFFFFF  }
0xaf: {  	[dreg:$0x0] =	wrdreg $0x60  }
0xb0: {  	[dreg:$0x2] =	wrdreg s2  }
0xb1: {  	[dreg:$0x3] =	wrdreg s19  }
0xb2: {  	[dreg:$0x4] =	wrdreg s4  }
0xb3: {  	[dreg:$0x5] =	wrdreg $0x9  }
0xb4: {  	_ =	task.clear_ibuf [dreg:s9], $0x6FFFF;
	_ =	strace $0x90000046  }
0xb5: {  	s29 =	simm.s32 $0x9;
	_ =	strace $0x80000048  }
0xb6: {  	_ =	swait.ge [sflag:s29], $0x1  }
0xb7: {  	[sflag:s29] =	ssyncadd.s32 $0xFFFFFFFF  }
0xb8: {  	_ =	strace $0x90000048  }
0xb9: {  	_ =	sfence  }
0xba: {  	s30 =	sld [smem:$0x0];
	_ =	sdelay $0x2  }
0xbb: {  	s31 =	sshll.u32 s1, $0xD;
	s1 =	sshrl.u32 s1, $0x2  }
0xbc: {  	s3 =	sand.u32 $0x4000, s31;
	s1 =	sadd.s32 s1, s30  }
0xbd: {  	s0 =	sor.u32 s3, s0;
	s1 =	sshll.u32 s1, $0x11  }
0xbe: {  	s0 =	sor.u32 s1, s0  }
0xbf: {  	s0 =	sadd.s32 $0x8F2B, s0  }
0xc0: {  	[sflag:s0] =	ssyncadd.remote.s32 $0x1  }
0xc1: {  	_ =	sfence.sel $0xFFFF  }
0xc2: {  	[dreg:$0x0] =	wrdreg $0xFFFFFFFF;
	(pc) =	sbr.abs _section_cstart, $3  }
0xc3: {  	[dreg:$0x1] =	wrdreg $0xFFFFFFFF  }
0xc4: {  	_ =	task.clear_ibuf [dreg:s9], $0x2FFFF;
	_ =	strace $0x9FFFFFFF  }
0xc5: {  	(tm) =	ssettm $0x7FFFFFFF  }
tec
execute0_lowered:
.L_overlay_start_1:
0x0: {  	(tag) =	ssettag $0x1  }
0x1: {  	s1 =	rddreg [dreg:$0x0]  }
0x2: {  	s0 =	rddreg [dreg:$0x2];
	s2 =	srdreg.scid  }
0x3: {  	s9 =	stileid.u32;
	s4 =	simm.s32 $0x0;
	s13 =	simm.s32 $0x80  }
0x4: {  	s14 =	simm.s32 $0x800;
	s16 =	simm.s32 $0x4800;
	s18 =	simm.s32 $0x8800  }
0x5: {  	s20 =	simm.s32 $0xC800;
	s21 =	simm.s32 $0x10800;
	s22 =	simm.s32 $0x1  }
0x6: {  	s23 =	simm.s32 $0x2;
	s2 =	sand.u32 $0x1, s2;
	s3 =	smul.u32 $0x1E, s9  }
0x7: {  	s24 =	simm.s32 $0x3;
	s25 =	simm.s32 $0x4;
	s6 =	smul.u32 $0xF, s2  }
0x8: {  	[smem:$0x7FF] =	sst s4;
	s5 =	sshll.u32 s9, $0x1;
	s7 =	ssub.s32 $0x2, s2  }
0x9: {  	s9 =	smul.u32 $0xF000, s9;
	s8 =	sshrl.u32 s7, $0x1;
	s3 =	sadd.s32 s6, s3  }
0xa: {  	_ =	strace $0x80000047;
	s26 =	ssub.s32 s7, s8;
	s3 =	sshll.u32 s3, $0xB  }
0xb: {  	s5 =	sor.u32 s2, s5;
	s6 =	smax.u32 s26, $0x1;
	s3 =	sadd.s32 s0, s3  }
0xc: {  	s2 =	smul.u32 $0x7800, s2;
	[dreg:$0x4] =	wrdreg s6;
	s28 =	sadd.s32 $0x1800, s3  }
0xd: {  	s5 =	smul.u32 $0xF, s5;
	s30 =	sadd.s32 $0x1000, s3;
	[dreg:$0x5] =	wrdreg s28  }
0xe: {  	s0 =	sadd.s32 s9, s0;
	s31 =	sadd.s32 $0x800, s3;
	[dreg:$0x6] =	wrdreg s30  }
0xf: {  	v0 =	vlaneseq.u32;
	s26 =	simm.s32 $0x5;
	s0 =	sadd.s32 s2, s0;
	[dreg:$0x7] =	wrdreg s31  }
0x10: {  	v0 =	vmul.u32 $0xC8, v0;
	s29 =	sadd.s32 $0x2000, s3;
	s2 =	simm.s32 $0x0;
	[dreg:$0x8] =	wrdreg s0  }
.LBB2_1:
0x11: {  	s3 =	sadd.s32 $0x0, s5  }
0x12: {  	s6 =	smulhi.u32 $0x44444445, s3;
	_ =	sdelay $0x1  }
0x13: {  	s6 =	sshrl.u32 s6, $0x3  }
0x14: {  	s11 =	smul.u32 $0x1E, s6;
	_ =	sdelay $0x1  }
0x15: {  	s0 =	rddreg [dreg:$0x1];
	s10 =	sadd.s32 $0x0, s5;
	s3 =	ssub.s32 s3, s11  }
0x16: {  	[tilespmem:s4], [sflag:$0xB] =	stream.linear.gather [hbm4b:s0+s4], $0x80, $0x38;
	v1 =	vmov s3;
	[tilespmem:$0x14800] =	vst v63  }
0x17: {  	s17 =	simm.s32 $0xB;
	s19 =	smulhi.u32 $0x44444445, s10  }
0x18: {  	s15 =	simm.s32 $0x30;
	_ =	swait.ge [sflag:s17], $0x80  }
0x19: {  	s28 =	simm.s32 $0x20;
	[sflag:s17] =	ssyncset.done $0x0;
	s12 =	sshrl.u32 s19, $0x3  }
0x1a: {  	s15 =	sand.u32 $0x70, s15;
	[sflag:s17] =	ssyncadd.s32 $0xFFFFFF80;
	s11 =	smul.u32 $0x1E, s12  }
0x1b: {  	s8 =	sand.u32 $0x60, s28;
	v2 =	vmov s15;
	s19 =	simm.s32 $0x10;
	s17 =	simm.s32 $0x0;
	v1 =	vld.idx.msk [tilespmem:v1+s4+$0x0], $0xffff  }
0x1c: {  	v6 =	vmov s8;
	v2 =	vmul.u32 $0xC8, v2;
	s30 =	smul.u32 $0x6400, s6;
	s17 =	sand.u32 $0x40, s17;
	s3 =	ssub.s32 s10, s11  }
0x1d: {  	v6 =	vmul.u32 $0xC8, v6;
	s7 =	sand.u32 $0x50, s19;
	v3 =	vmov s17;
	v4 =	vmov s3  }
0x1e: {  	v5 =	vmov s7;
	s17 =	sadd.s32 $0x1, s5;
	v2 =	vadd.s32 s30, v2;
	v3 =	vmul.u32 $0xC8, v3  }
0x1f: {  	s28 =	simm.s32 $0x40;
	v5 =	vmul.u32 $0xC8, v5;
	s9 =	smulhi.u32 $0x44444445, s17;
	v2 =	vbroadcast v2, $0x0  }
0x20: {  	s15 =	simm.s32 $0x8;
	s31 =	sand.u32 $0x40, s28;
	v8 =	vadd.s32 s30, v6;
	s11 =	simm.s32 $0x70;
	v3 =	vadd.s32 s30, v3;
	v1 =	vadd.s32 v0, v1  }
0x21: {  	v7 =	vadd.s32 s30, v5;
	s3 =	simm.s32 $0xA0;
	s6 =	sshrl.u32 s9, $0x3;
	s10 =	sand.u32 $0x70, s11;
	v5 =	vbroadcast v3, $0x0;
	v6 =	vadd.s32 v2, v1  }
0x22: {  	s28 =	simm.s32 $0x50;
	s30 =	simm.s32 $0x60;
	s19 =	smul.u32 $0x1E, s6;
	v3 =	vbroadcast v8, $0x0;
	v2 =	vld.idx.msk [tilespmem:v4+s4+$0x0], $0xffff;
	v4 =	vbroadcast v7, $0x0;
	[tilespmem:s3+$0x10] =	vst v6;
	v6 =	vmov s10  }
.LBB2_2:
0x23: {  	s15 =	sadd.s32 $0x4, s15  }
0x24: {  	s0 =	ssub.s32 s17, s19;
	v7 =	vmov s31;
	s19 =	smul.u32 $0x6400, s12;
	v6 =	vmul.u32 $0xC8, v6;
	v5 =	vadd.s32 v5, v1;
	s12 =	sshrl.u32 s15, $0x3  }
0x25: {  	v4 =	vadd.s32 v4, v1;
	v8 =	vmov s0;
	v7 =	vmul.u32 $0xC8, v7;
	s0 =	sand.u32 $0x50, s28;
	s28 =	sand.u32 $0x60, s30;
	[tilespmem:s3+$0xFFFFFFE0] =	vst v5;
	s17 =	sadd.s32 s5, s12  }
0x26: {  	p0 =	slt.u32 s15, $0x74;
	v5 =	vmov s0;
	v9 =	vmov s28;
	v6 =	vadd.s32 s19, v6;
	[tilespmem:s3+$0xFFFFFFF0] =	vst v4;
	s12 =	smov.u32 s6;
	s0 =	smulhi.u32 $0x44444445, s17  }
.Ltmp0:
0x27: {  	v4 =	vmul.u32 $0xC8, v5;
	v5 =	vmul.u32 $0xC8, v9;
	v6 =	vbroadcast v6, $0x0;
	(pc) =	sbr.rel @p0 .LBB2_2-.Ltmp0, $4  }
0x28: {  	v3 =	vadd.s32 v3, v1;
	v7 =	vadd.s32 s19, v7;
	v1 =	vadd.s32 v0, v2  }
0x29: {  	s11 =	sadd.s32 $0x40, s11;
	s6 =	sshrl.u32 s0, $0x3;
	v4 =	vadd.s32 s19, v4;
	v9 =	vadd.s32 s19, v5;
	v6 =	vadd.s32 v6, v1;
	[tilespmem:s3+$0x0] =	vst v3;
	s3 =	sadd.s32 $0x40, s3  }
0x2a: {  	s7 =	sand.u32 $0x70, s11;
	s0 =	sadd.s32 $0xFFFFFFD0, s11;
	v5 =	vbroadcast v7, $0x0;
	s19 =	smul.u32 $0x1E, s6;
	v2 =	vld.idx.msk [tilespmem:v8+s4+$0x0], $0xffff;
	v4 =	vbroadcast v4, $0x0;
	[tilespmem:s3+$0x10] =	vst v6  }
0x2b: {  	s30 =	sadd.s32 $0xFFFFFFF0, s11;
	s28 =	sadd.s32 $0xFFFFFFE0, s11;
	s31 =	sand.u32 $0x40, s0;
	v6 =	vmov s7;
	v3 =	vbroadcast v9, $0x0  }
0x2c: {  	s0 =	ssub.s32 s17, s19;
	v7 =	vmov s31;
	v6 =	vmul.u32 $0xC8, v6  }
0x2d: {  	s7 =	smul.u32 $0x6400, s12;
	v5 =	vadd.s32 v5, v1;
	s19 =	sand.u32 $0x50, s28;
	s31 =	sand.u32 $0x60, s30;
	v4 =	vadd.s32 v4, v1;
	v8 =	vmov s0  }
0x2e: {  	s8 =	sadd.s32 $0x40, s11;
	v7 =	vmul.u32 $0xC8, v7;
	v9 =	vmov s19;
	v10 =	vmov s31  }
0x2f: {  	v1 =	vadd.s32 v3, v1;
	s11 =	sand.u32 $0x70, s8;
	v6 =	vadd.s32 s7, v6;
	v9 =	vmul.u32 $0xC8, v9  }
0x30: {  	s0 =	sadd.s32 $0xFFFFFFF0, s8;
	v10 =	vmul.u32 $0xC8, v10;
	v54 =	vmov s11;
	v6 =	vbroadcast v6, $0x0  }
0x31: {  	s0 =	sand.u32 $0x60, s0;
	v7 =	vadd.s32 s7, v7;
	v2 =	vadd.s32 v0, v2;
	v56 =	vmul.u32 $0xC8, v54  }
0x32: {  	s9 =	sadd.s32 $0xFFFFFFD0, s8;
	v59 =	vmov s0;
	v3 =	vadd.s32 s7, v9;
	v53 =	vadd.s32 s7, v10  }
0x33: {  	[tilespmem:s3+$0xFFFFFFE0] =	vst v5;
	s10 =	sadd.s32 $0xFFFFFFE0, s8;
	v7 =	vbroadcast v7, $0x0;
	s7 =	sand.u32 $0x40, s9;
	v60 =	vmul.u32 $0xC8, v59;
	v3 =	vbroadcast v3, $0x0;
	v8 =	vld.idx.msk [tilespmem:v8+s4+$0x0], $0xffff  }
0x34: {  	s6 =	smul.u32 $0x6400, s6;
	[tilespmem:s3+$0xFFFFFFF0] =	vst v4;
	s11 =	sand.u32 $0x50, s10;
	v6 =	vadd.s32 v6, v2;
	v9 =	vbroadcast v53, $0x0;
	v55 =	vmov s7  }
0x35: {  	s12 =	sadd.s32 $0x40, s3;
	[tilespmem:s3+$0x0] =	vst v1;
	v58 =	vmul.u32 $0xC8, v55;
	v1 =	vadd.s32 v3, v2;
	v3 =	vmov s11  }
0x36: {  	v4 =	vadd.s32 s6, v56;
	v57 =	vadd.s32 v7, v2;
	[tilespmem:s12+$0x10] =	vst v6;
	v3 =	vmul.u32 $0xC8, v3  }
0x37: {  	v4 =	vbroadcast v4, $0x0;
	v61 =	vadd.s32 s6, v58;
	[tilespmem:s12+$0xFFFFFFF0] =	vst v1;
	v1 =	vadd.s32 v9, v2  }
0x38: {  	[tilespmem:s12+$0xFFFFFFE0] =	vst v57;
	v2 =	vadd.s32 s6, v3;
	v3 =	vbroadcast v61, $0x0;
	v62 =	vadd.s32 v0, v8  }
0x39: {  	s15 =	sadd.s32 $0x40, s12;
	v63 =	vadd.s32 s6, v60;
	[tilespmem:s12+$0x0] =	vst v1;
	v1 =	vbroadcast v2, $0x0;
	v4 =	vadd.s32 v4, v62  }
0x3a: {  	v2 =	vbroadcast v63, $0x0;
	v3 =	vadd.s32 v3, v62;
	[tilespmem:s15+$0x10] =	vst v4  }
0x3b: {  	[tilespmem:s15+$0xFFFFFFE0] =	vst v3;
	v1 =	vadd.s32 v1, v62  }
0x3c: {  	[tilespmem:s15+$0xFFFFFFF0] =	vst v1;
	v1 =	vadd.s32 v2, v62  }
0x3d: {  	[tilespmem:s15+$0x0] =	vst v1  }
0x3e: {  	[tilespmem:s14], [sflag:$0x1] =	stream.indirect.gather [hbm4b:s1+s13], $0x80, s13, s13, $0xb8;
	[tilespmem:$0x14800] =	vst v63  }
0x3f: {  	s17 =	simm.s32 $0x100  }
0x40: {  	[tilespmem:s16], [sflag:$0x2] =	stream.indirect.gather [hbm4b:s1+s13], $0x80, s17, s13, $0xb8;
	[tilespmem:$0x14800] =	vst v63  }
0x41: {  	p0 =	por $0x1, $0x1;
	s19 =	simm.s32 $0x180  }
0x42: {  	[tilespmem:s18], [sflag:$0x3] =	stream.indirect.gather [hbm4b:s1+s13], $0x80, s19, s13, $0xb8;
	[tilespmem:$0x14800] =	vst v63  }
0x43: {  	s30 =	simm.s32 $0x200;
	s0 =	simm.s32 @!p0 $0xA  }
0x44: {  	[tilespmem:s20], [sflag:$0x4] =	stream.indirect.gather [hbm4b:s1+s13], $0x80, s30, s13, $0xb8;
	[tilespmem:$0x14800] =	vst v63  }
0x45: {  	_ =	swait.ge @!p0 [sflag:s0], $0x4000  }
0x46: {  	[sflag:s0] =	ssyncset.done @!p0 $0x0  }
0x47: {  	s31 =	simm.s32 $0x280;
	[sflag:s0] =	ssyncadd.s32 @!p0 $0xFFFFC000  }
0x48: {  	[tilespmem:s21], [sflag:$0x5] =	stream.indirect.gather [hbm4b:s1+s13], $0x80, s31, s13, $0xb8;
	[tilespmem:$0x14800] =	vst v63  }
0x49: {  	_ =	swait.ge [sflag:s22], $0x4000  }
0x4a: {  	p0 =	por $0x0, $0x0;
	[sflag:s22] =	ssyncset.done $0x0  }
0x4b: {  	s0 =	simm.s32 @!p0 $0x6;
	s15 =	rddreg [dreg:$0x8];
	[sflag:s22] =	ssyncadd.s32 $0xFFFFC000  }
0x4c: {  	[hbm4b:s15+s4] =	stream.linear.scatter [tilespmem:s14], [sflag:$0x6], $0x4000, $0x38;
	[tilespmem:$0x14800] =	vst v63  }
0x4d: {  	_ =	swait.ge @!p0 [sflag:s0], $0x4000  }
0x4e: {  	s3 =	simm.s32 @!p0 $0x300;
	[sflag:s0] =	ssyncset.done @!p0 $0x0  }
0x4f: {  	s6 =	simm.s32 @!p0 $0x80;
	s7 =	simm.s32 @!p0 $0x800;
	[sflag:s0] =	ssyncadd.s32 @!p0 $0xFFFFC000  }
0x50: {  	[tilespmem:s7], [sflag:$0x1] =	stream.indirect.gather @!p0 [hbm4b:s1+s6], $0x80, s3, s6, $0xb8;
	[tilespmem:$0x14800] =	vst v63  }
0x51: {  	_ =	swait.ge [sflag:s23], $0x4000  }
0x52: {  	[sflag:s23] =	ssyncset.done $0x0  }
0x53: {  	s0 =	simm.s32 @!p0 $0x7;
	s10 =	rddreg [dreg:$0x7];
	[sflag:s23] =	ssyncadd.s32 $0xFFFFC000  }
0x54: {  	[hbm4b:s10+s4] =	stream.linear.scatter [tilespmem:s16], [sflag:$0x7], $0x4000, $0x38;
	[tilespmem:$0x14800] =	vst v63  }
0x55: {  	_ =	swait.ge @!p0 [sflag:s0], $0x4000  }
0x56: {  	[sflag:s0] =	ssyncset.done @!p0 $0x0  }
0x57: {  	s3 =	simm.s32 @!p0 $0x380;
	s7 =	simm.s32 @!p0 $0x4800;
	[sflag:s0] =	ssyncadd.s32 @!p0 $0xFFFFC000  }
0x58: {  	[tilespmem:s7], [sflag:$0x2] =	stream.indirect.gather @!p0 [hbm4b:s1+s6], $0x80, s3, s6, $0xb8;
	[tilespmem:$0x14800] =	vst v63  }
0x59: {  	_ =	swait.ge [sflag:s24], $0x4000  }
0x5a: {  	[sflag:s24] =	ssyncset.done $0x0  }
0x5b: {  	s0 =	simm.s32 @!p0 $0x8;
	s9 =	rddreg [dreg:$0x6];
	[sflag:s24] =	ssyncadd.s32 $0xFFFFC000  }
0x5c: {  	[hbm4b:s9+s4] =	stream.linear.scatter [tilespmem:s18], [sflag:$0x8], $0x4000, $0x38;
	[tilespmem:$0x14800] =	vst v63  }
0x5d: {  	_ =	swait.ge @!p0 [sflag:s0], $0x4000  }
0x5e: {  	[sflag:s0] =	ssyncset.done @!p0 $0x0  }
0x5f: {  	s3 =	simm.s32 @!p0 $0x400;
	s7 =	simm.s32 @!p0 $0x8800;
	[sflag:s0] =	ssyncadd.s32 @!p0 $0xFFFFC000  }
0x60: {  	[tilespmem:s7], [sflag:$0x3] =	stream.indirect.gather @!p0 [hbm4b:s1+s6], $0x80, s3, s6, $0xb8;
	[tilespmem:$0x14800] =	vst v63  }
0x61: {  	_ =	swait.ge [sflag:s25], $0x4000  }
0x62: {  	[sflag:s25] =	ssyncset.done $0x0  }
0x63: {  	s0 =	simm.s32 @!p0 $0x9;
	s8 =	rddreg [dreg:$0x5];
	[sflag:s25] =	ssyncadd.s32 $0xFFFFC000  }
0x64: {  	[hbm4b:s8+s4] =	stream.linear.scatter [tilespmem:s20], [sflag:$0x9], $0x4000, $0x38;
	[tilespmem:$0x14800] =	vst v63  }
0x65: {  	s28 =	simm.s32 $0x1400;
	p1 =	por $0x0, $0x0;
	_ =	swait.ge @!p0 [sflag:s0], $0x4000  }
0x66: {  	s12 =	simm.s32 $0xA00;
	s11 =	simm.s32 @!p0 $0xC800;
	[sflag:s0] =	ssyncset.done @!p0 $0x0  }
0x67: {  	s19 =	sadd.s32 $0x2800, s10;
	s7 =	simm.s32 @!p0 $0x480;
	[sflag:s0] =	ssyncadd.s32 @!p0 $0xFFFFC000  }
0x68: {  	[tilespmem:s11], [sflag:$0x4] =	stream.indirect.gather @!p0 [hbm4b:s1+s6], $0x80, s7, s6, $0xb8;
	[tilespmem:$0x14800] =	vst v63  }
0x69: {  	s17 =	sadd.s32 $0x2800, s9;
	s3 =	sadd.s32 $0x2800, s29;
	s6 =	sadd.s32 $0x2800, s15  }
0x6a: {  	s15 =	sadd.s32 $0x2800, s8;
	s11 =	smov.u32 s29;
	_ =	swait.ge [sflag:s26], $0x4000  }
.LBB2_4:
0x6b: {  	s0 =	simm.s32 @!p1 $0xA  }
0x6c: {  	[sflag:s26] =	ssyncset.done $0x0;
	s7 =	smov.u32 s28;
	s28 =	sadd.s32 $0xA00, s28  }
0x6d: {  	p0 =	sne.s32 s28, $0x1E00;
	[sflag:s26] =	ssyncadd.s32 $0xFFFFC000  }
0x6e: {  	[hbm4b:s11+s4] =	stream.linear.scatter [tilespmem:s21], [sflag:$0xA], $0x4000, $0x38;
	[tilespmem:$0x14800] =	vst v63  }
0x6f: {  	s30 =	sshra.s32 s12, $0x2;
	s11 =	smov.u32 s3;
	_ =	swait.ge @!p1 [sflag:s0], $0x4000  }
0x70: {  	s30 =	sadd.s32 $0x280, s30;
	[sflag:s0] =	ssyncset.done @!p1 $0x0  }
0x71: {  	[sflag:s0] =	ssyncadd.s32 @!p1 $0xFFFFC000  }
0x72: {  	[tilespmem:s21], [sflag:$0x5] =	stream.indirect.gather [hbm4b:s1+s13], $0x80, s30, s13, $0xb8;
	[tilespmem:$0x14800] =	vst v63  }
0x73: {  	_ =	swait.ge [sflag:s22], $0x4000  }
0x74: {  	p1 =	seq.s32 s12, $0x1400;
	[sflag:s22] =	ssyncset.done $0x0  }
0x75: {  	s0 =	simm.s32 @!p1 $0x6;
	s12 =	sshra.s32 @!p1 s12, $0x2;
	[sflag:s22] =	ssyncadd.s32 $0xFFFFC000  }
0x76: {  	[hbm4b:s6+s4] =	stream.linear.scatter [tilespmem:s14], [sflag:$0x6], $0x4000, $0x38;
	[tilespmem:$0x14800] =	vst v63  }
0x77: {  	s31 =	sadd.s32 @!p1 $0x300, s12;
	s8 =	sadd.s32 @!p1 $0x380, s12;
	_ =	swait.ge @!p1 [sflag:s0], $0x4000  }
0x78: {  	s30 =	simm.s32 @!p1 $0x80;
	s9 =	simm.s32 @!p1 $0x800;
	[sflag:s0] =	ssyncset.done @!p1 $0x0  }
0x79: {  	s10 =	sadd.s32 @!p1 $0x480, s12;
	[sflag:s0] =	ssyncadd.s32 @!p1 $0xFFFFC000;
	s0 =	sadd.s32 @!p1 $0x400, s12  }
0x7a: {  	[tilespmem:s9], [sflag:$0x1] =	stream.indirect.gather @!p1 [hbm4b:s1+s30], $0x80, s31, s30, $0xb8;
	[tilespmem:$0x14800] =	vst v63  }
0x7b: {  	s12 =	smov.u32 s7;
	_ =	swait.ge [sflag:s23], $0x4000  }
0x7c: {  	[sflag:s23] =	ssyncset.done $0x0  }
0x7d: {  	s7 =	simm.s32 @!p1 $0x7;
	[sflag:s23] =	ssyncadd.s32 $0xFFFFC000  }
0x7e: {  	[hbm4b:s19+s4] =	stream.linear.scatter [tilespmem:s16], [sflag:$0x7], $0x4000, $0x38;
	[tilespmem:$0x14800] =	vst v63  }
0x7f: {  	_ =	swait.ge @!p1 [sflag:s7], $0x4000  }
0x80: {  	s9 =	simm.s32 @!p1 $0x4800;
	[sflag:s7] =	ssyncset.done @!p1 $0x0  }
0x81: {  	[sflag:s7] =	ssyncadd.s32 @!p1 $0xFFFFC000  }
0x82: {  	[tilespmem:s9], [sflag:$0x2] =	stream.indirect.gather @!p1 [hbm4b:s1+s30], $0x80, s8, s30, $0xb8;
	[tilespmem:$0x14800] =	vst v63  }
0x83: {  	_ =	swait.ge [sflag:s24], $0x4000  }
0x84: {  	[sflag:s24] =	ssyncset.done $0x0  }
0x85: {  	s7 =	simm.s32 @!p1 $0x8;
	[sflag:s24] =	ssyncadd.s32 $0xFFFFC000  }
0x86: {  	[hbm4b:s17+s4] =	stream.linear.scatter [tilespmem:s18], [sflag:$0x8], $0x4000, $0x38;
	[tilespmem:$0x14800] =	vst v63  }
0x87: {  	_ =	swait.ge @!p1 [sflag:s7], $0x4000  }
0x88: {  	s8 =	simm.s32 @!p1 $0x8800;
	[sflag:s7] =	ssyncset.done @!p1 $0x0  }
0x89: {  	[sflag:s7] =	ssyncadd.s32 @!p1 $0xFFFFC000  }
0x8a: {  	[tilespmem:s8], [sflag:$0x3] =	stream.indirect.gather @!p1 [hbm4b:s1+s30], $0x80, s0, s30, $0xb8;
	[tilespmem:$0x14800] =	vst v63  }
0x8b: {  	_ =	swait.ge [sflag:s25], $0x4000  }
0x8c: {  	[sflag:s25] =	ssyncset.done $0x0  }
0x8d: {  	s0 =	simm.s32 @!p1 $0x9;
	[sflag:s25] =	ssyncadd.s32 $0xFFFFC000  }
0x8e: {  	[hbm4b:s15+s4] =	stream.linear.scatter [tilespmem:s20], [sflag:$0x9], $0x4000, $0x38;
	[tilespmem:$0x14800] =	vst v63  }
.Ltmp1:
0x8f: {  	s3 =	sadd.s32 $0x2800, s3;
	_ =	swait.ge @!p1 [sflag:s0], $0x4000;
	(pc) =	sbr.rel @p0 .LBB2_4-.Ltmp1, $4  }
0x90: {  	s6 =	sadd.s32 $0x2800, s6;
	s7 =	simm.s32 @!p1 $0xC800;
	[sflag:s0] =	ssyncset.done @!p1 $0x0  }
0x91: {  	s19 =	sadd.s32 $0x2800, s19;
	s17 =	sadd.s32 $0x2800, s17;
	[sflag:s0] =	ssyncadd.s32 @!p1 $0xFFFFC000  }
0x92: {  	[tilespmem:s7], [sflag:$0x4] =	stream.indirect.gather @!p1 [hbm4b:s1+s30], $0x80, s10, s30, $0xb8;
	[tilespmem:$0x14800] =	vst v63  }
0x93: {  	s15 =	sadd.s32 $0x2800, s15;
	p1 =	seq.s32 s12, $0x0;
	_ =	swait.ge [sflag:s26], $0x4000  }
0x94: {  	[sflag:s26] =	ssyncset.done $0x0  }
0x95: {  	s0 =	simm.s32 @!p1 $0xA;
	[sflag:s26] =	ssyncadd.s32 $0xFFFFC000  }
0x96: {  	[hbm4b:s11+s4] =	stream.linear.scatter [tilespmem:s21], [sflag:$0xA], $0x4000, $0x38;
	[tilespmem:$0x14800] =	vst v63  }
0x97: {  	_ =	swait.ge @!p1 [sflag:s0], $0x4000  }
0x98: {  	s7 =	sshra.s32 s12, $0x2;
	[sflag:s0] =	ssyncset.done @!p1 $0x0  }
0x99: {  	s7 =	sadd.s32 $0x280, s7;
	[sflag:s0] =	ssyncadd.s32 @!p1 $0xFFFFC000  }
0x9a: {  	[tilespmem:s21], [sflag:$0x5] =	stream.indirect.gather [hbm4b:s1+s13], $0x80, s7, s13, $0xb8;
	[tilespmem:$0x14800] =	vst v63  }
0x9b: {  	_ =	swait.ge [sflag:s22], $0x4000  }
0x9c: {  	p0 =	seq.s32 s12, $0x1400;
	[sflag:s22] =	ssyncset.done $0x0  }
0x9d: {  	s0 =	simm.s32 @!p0 $0x6;
	[sflag:s22] =	ssyncadd.s32 $0xFFFFC000  }
0x9e: {  	[hbm4b:s6+s4] =	stream.linear.scatter [tilespmem:s14], [sflag:$0x6], $0x4000, $0x38;
	[tilespmem:$0x14800] =	vst v63  }
0x9f: {  	_ =	swait.ge @!p0 [sflag:s0], $0x4000  }
0xa0: {  	s8 =	simm.s32 @!p0 $0x80;
	s6 =	sshra.s32 @!p0 s12, $0x2;
	[sflag:s0] =	ssyncset.done @!p0 $0x0  }
0xa1: {  	s7 =	sadd.s32 @!p0 $0x300, s6;
	[sflag:s0] =	ssyncadd.s32 @!p0 $0xFFFFC000;
	s0 =	simm.s32 @!p0 $0x800  }
0xa2: {  	[tilespmem:s0], [sflag:$0x1] =	stream.indirect.gather @!p0 [hbm4b:s1+s8], $0x80, s7, s8, $0xb8;
	[tilespmem:$0x14800] =	vst v63  }
0xa3: {  	_ =	swait.ge [sflag:s23], $0x4000  }
0xa4: {  	[sflag:s23] =	ssyncset.done $0x0  }
0xa5: {  	s0 =	simm.s32 @!p0 $0x7;
	[sflag:s23] =	ssyncadd.s32 $0xFFFFC000  }
0xa6: {  	[hbm4b:s19+s4] =	stream.linear.scatter [tilespmem:s16], [sflag:$0x7], $0x4000, $0x38;
	[tilespmem:$0x14800] =	vst v63  }
0xa7: {  	_ =	swait.ge @!p0 [sflag:s0], $0x4000  }
0xa8: {  	[sflag:s0] =	ssyncset.done @!p0 $0x0  }
0xa9: {  	s7 =	sadd.s32 @!p0 $0x380, s6;
	[sflag:s0] =	ssyncadd.s32 @!p0 $0xFFFFC000;
	s0 =	simm.s32 @!p0 $0x4800  }
0xaa: {  	[tilespmem:s0], [sflag:$0x2] =	stream.indirect.gather @!p0 [hbm4b:s1+s8], $0x80, s7, s8, $0xb8;
	[tilespmem:$0x14800] =	vst v63  }
0xab: {  	_ =	swait.ge [sflag:s24], $0x4000  }
0xac: {  	[sflag:s24] =	ssyncset.done $0x0  }
0xad: {  	s0 =	simm.s32 @!p0 $0x8;
	[sflag:s24] =	ssyncadd.s32 $0xFFFFC000  }
0xae: {  	[hbm4b:s17+s4] =	stream.linear.scatter [tilespmem:s18], [sflag:$0x8], $0x4000, $0x38;
	[tilespmem:$0x14800] =	vst v63  }
0xaf: {  	_ =	swait.ge @!p0 [sflag:s0], $0x4000  }
0xb0: {  	[sflag:s0] =	ssyncset.done @!p0 $0x0  }
0xb1: {  	s7 =	sadd.s32 @!p0 $0x400, s6;
	[sflag:s0] =	ssyncadd.s32 @!p0 $0xFFFFC000;
	s0 =	simm.s32 @!p0 $0x8800  }
0xb2: {  	[tilespmem:s0], [sflag:$0x3] =	stream.indirect.gather @!p0 [hbm4b:s1+s8], $0x80, s7, s8, $0xb8;
	[tilespmem:$0x14800] =	vst v63  }
0xb3: {  	_ =	swait.ge [sflag:s25], $0x4000  }
0xb4: {  	[sflag:s25] =	ssyncset.done $0x0  }
0xb5: {  	s0 =	simm.s32 @!p0 $0x9;
	[sflag:s25] =	ssyncadd.s32 $0xFFFFC000  }
0xb6: {  	[hbm4b:s15+s4] =	stream.linear.scatter [tilespmem:s20], [sflag:$0x9], $0x4000, $0x38;
	[tilespmem:$0x14800] =	vst v63  }
0xb7: {  	_ =	swait.ge @!p0 [sflag:s0], $0x4000  }
0xb8: {  	[sflag:s0] =	ssyncset.done @!p0 $0x0  }
0xb9: {  	s6 =	sadd.s32 @!p0 $0x480, s6;
	[sflag:s0] =	ssyncadd.s32 @!p0 $0xFFFFC000;
	s0 =	simm.s32 @!p0 $0xC800  }
0xba: {  	[tilespmem:s0], [sflag:$0x4] =	stream.indirect.gather @!p0 [hbm4b:s1+s8], $0x80, s6, s8, $0xb8;
	[tilespmem:$0x14800] =	vst v63  }
0xbb: {  	_ =	swait.ge [sflag:s26], $0x4000  }
0xbc: {  	[sflag:s26] =	ssyncset.done $0x0  }
0xbd: {  	s15 =	simm.s32 $0x6;
	[sflag:s26] =	ssyncadd.s32 $0xFFFFC000  }
0xbe: {  	[hbm4b:s3+s4] =	stream.linear.scatter [tilespmem:s21], [sflag:$0xA], $0x4000, $0x38;
	[tilespmem:$0x14800] =	vst v63  }
0xbf: {  	_ =	swait.ge [sflag:s15], $0x4000  }
0xc0: {  	[sflag:s15] =	ssyncset.done $0x0  }
0xc1: {  	s17 =	simm.s32 $0x7;
	[sflag:s15] =	ssyncadd.s32 $0xFFFFC000  }
0xc2: {  	_ =	swait.ge [sflag:s17], $0x4000  }
0xc3: {  	[sflag:s17] =	ssyncset.done $0x0  }
0xc4: {  	s19 =	simm.s32 $0x8;
	[sflag:s17] =	ssyncadd.s32 $0xFFFFC000  }
0xc5: {  	_ =	swait.ge [sflag:s19], $0x4000  }
0xc6: {  	[sflag:s19] =	ssyncset.done $0x0  }
0xc7: {  	s28 =	simm.s32 $0x9;
	[sflag:s19] =	ssyncadd.s32 $0xFFFFC000  }
0xc8: {  	_ =	swait.ge [sflag:s28], $0x4000  }
0xc9: {  	[sflag:s28] =	ssyncset.done $0x0  }
0xca: {  	s30 =	simm.s32 $0xA;
	[sflag:s28] =	ssyncadd.s32 $0xFFFFC000  }
0xcb: {  	_ =	swait.ge [sflag:s30], $0x4000  }
0xcc: {  	s2 =	sadd.s32 $0x1, s2;
	s31 =	rddreg [dreg:$0x4]  }
0xcd: {  	p0 =	sne.s32 s2, s31  }
.Ltmp2:
0xce: {  	_ = 	snop;
	(pc) =	sbr.rel @p0 .LBB2_1-.Ltmp2, $3  }
0xcf: {  	_ =	sdelay $0x1  }
0xd0: {  	[sflag:s30] =	ssyncset.done $0x0  }
0xd1: {  	[sflag:s30] =	ssyncadd.s32 $0xFFFFC000  }
0xd2: {  	_ =	sfence.sel $0x180000  }
0xd3: {  	[bflag:$0x0] =	sbarrier.arrive $0xFFFF  }
0xd4: {  	_ =	strace $0x90000047  }
0xd5: {  	s0 =	stileid.u32;
	[bflag:$0x2] =	sbarrier.arrive $0xFFFF  }
0xd6: {  	p0 =	sne.s32 s0, $0x0;
	s0 =	rddreg [dreg:$0x3]  }
0xd7: {  	s0 =	sadd.s32 @!p0 $0x100000, s0  }
0xd8: {  	[sflag:s0] =	ssyncadd.tile.s32 @!p0 $0x1;
	_ =	shalt  }
.Lfunc_end2:
_tile_overlayer_lowered:
.L_overlay_start_2:
0xd9: {  	(tag) =	ssettag $0x2  }
0xda: {  	s0 =	rddreg [dreg:$0x0];
	s2 =	stileid.u32  }
0xdb: {  	s1 =	rddreg [dreg:$0x1];
	p0 =	sne.s32 s2, $0x0  }
0xdc: {  	s3 =	rddreg [dreg:$0x2];
	[bflag:$0x3] =	sbarrier.arrive $0xFFFF;
	s2 =	simm.s32 @!p0 $0x1C0B  }
0xdd: {  	[timem:s3], [sflag:s2] =	dma.local @!p0 [hbm:s0], s1  }
0xde: {  	s0 =	simm.s32 @!p0 $0xB  }
0xdf: {  	_ =	swait.ge @!p0 [sflag:s0], s1  }
0xe0: {  	s1 =	ssub.s32 @!p0 $0x0, s1;
	[sflag:s0] =	ssyncset.done @!p0 $0x0  }
0xe1: {  	[sflag:s0] =	ssyncadd.s32 @!p0 s1  }
0xe2: {  	[bflag:$0x3] =	sbarrier.arrive $0xFFFF  }
0xe3: {  	_ =	shalt  }

</sc_bundles>
